<compile_context>
chip_gen: v7x
topology: tpu7x:2x2x1
jax: 0.10.2.dev20260603
libtpu: 0.0.44.dev20260713+nightly
codegen_flags: <defaults>
</compile_context>

<pallas_src>
import jax
import jax.numpy as jnp
from jax import lax
from jax.experimental import pallas as pl
from jax.experimental.pallas import tpu as pltpu
from jax.experimental.pallas import tpu_sc as plsc

_N = 100000
_D = 128
_S = 1024
_NPAD = 100352
_NSTREAM = 8
_TBLK = 1792
_CHUNK = 7168
_NFULL = 13
_TAIL = 6816
_K = 4
_ACC = _K * _S


def _matvec_body(*refs):
    o_ref = refs[-1]
    w_ref = refs[-3]
    b = refs[-2][0, 0]
    for k, xr in enumerate(refs[:_NSTREAM]):
        yt = lax.dot_general(
            w_ref[...], xr[...], (((1,), (1,)), ((), ())),
            preferred_element_type=jnp.float32,
        )
        o_ref[pl.ds(k * _TBLK, _TBLK)] = (yt + b).reshape(_TBLK)


def _segment_body(y_hbm, idx_hbm, out_hbm, yv, iv, yv2, iv2, zv, av, acc, sem):
    c = lax.axis_index("c")
    s = lax.axis_index("s")

    @pl.when(jnp.logical_and(c == 0, s < _NFULL))
    def _stage():
        pltpu.async_copy(idx_hbm.at[pl.ds(s * _CHUNK, _CHUNK)], iv, sem)
        pltpu.async_copy(y_hbm.at[pl.ds(s * _CHUNK, _CHUNK)], yv, sem)

    @pl.when(jnp.logical_and(c == 0, s == _NFULL))
    def _stage_tail():
        pltpu.async_copy(idx_hbm.at[pl.ds(_NFULL * _CHUNK, _TAIL)], iv2, sem)
        pltpu.async_copy(y_hbm.at[pl.ds(_NFULL * _CHUNK, _TAIL)], yv2, sem)

    @pl.when(jnp.logical_and(c == 0, s == 0))
    def _zero():
        for i in range(_S // 16):
            zv[pl.ds(i * 16, 16)] = jnp.zeros((16,), jnp.float32)
        for r in range(_K):
            pltpu.sync_copy(zv, acc.at[pl.ds(r * _S, _S)])

    plsc.subcore_barrier()

    @pl.when(jnp.logical_and(c == 0, s < _NFULL))
    def _scatter():
        pltpu.make_async_copy(idx_hbm.at[pl.ds(s * _CHUNK, _CHUNK)], iv, sem).wait()
        pltpu.make_async_copy(y_hbm.at[pl.ds(s * _CHUNK, _CHUNK)], yv, sem).wait()
        pltpu.sync_copy(yv, acc.at[iv], add=True)

    @pl.when(jnp.logical_and(c == 0, s == _NFULL))
    def _scatter_tail():
        pltpu.make_async_copy(idx_hbm.at[pl.ds(_NFULL * _CHUNK, _TAIL)], iv2, sem).wait()
        pltpu.make_async_copy(y_hbm.at[pl.ds(_NFULL * _CHUNK, _TAIL)], yv2, sem).wait()
        pltpu.sync_copy(yv2, acc.at[iv2], add=True)

    plsc.subcore_barrier()

    @pl.when(jnp.logical_and(c == 0, s == 0))
    def _writeback():
        pltpu.sync_copy(acc, av)

        def _comb(i, carry):
            off = pl.multiple_of(i * 16, 16)
            tot = av[pl.ds(off, 16)]
            for r in range(1, _K):
                tot = tot + av[pl.ds(r * _S + off, 16)]
            zv[pl.ds(off, 16)] = tot
            return carry

        lax.fori_loop(0, _S // 16, _comb, 0)
        pltpu.sync_copy(zv, out_hbm)


def kernel(node_embedding, batch, Wout, bout):
    w = Wout.astype(jnp.float32).reshape(1, _D)
    b2 = bout.reshape(1, 1).astype(jnp.float32)
    y = pl.pallas_call(
        _matvec_body,
        grid=(_NPAD // (_NSTREAM * _TBLK),),
        in_specs=[
            pl.BlockSpec((_TBLK, _D), lambda i, k=k: (_NSTREAM * i + k, 0))
            for k in range(_NSTREAM)
        ] + [
            pl.BlockSpec((1, _D), lambda i: (0, 0)),
            pl.BlockSpec((1, 1), lambda i: (0, 0), memory_space=pltpu.SMEM),
        ],
        out_specs=pl.BlockSpec((_NSTREAM * _TBLK,), lambda i: (i,)),
        out_shape=jax.ShapeDtypeStruct((_NPAD,), jnp.float32),
    )(*([node_embedding] * _NSTREAM), w, b2)

    seg = pl.kernel(
        _segment_body,
        out_type=jax.ShapeDtypeStruct((_S,), jnp.float32),
        mesh=plsc.VectorSubcoreMesh(core_axis_name="c", subcore_axis_name="s"),
        scratch_types=[
            pltpu.VMEM((_CHUNK,), jnp.float32),
            pltpu.VMEM((_CHUNK,), jnp.int32),
            pltpu.VMEM((_TAIL,), jnp.float32),
            pltpu.VMEM((_TAIL,), jnp.int32),
            pltpu.VMEM((_S,), jnp.float32),
            pltpu.VMEM((_ACC,), jnp.float32),
            pltpu.VMEM_SHARED((_ACC,), jnp.float32),
            pltpu.SemaphoreType.DMA,
        ],
    )(y, batch.astype(jnp.int32) + _S * (jnp.arange(_N, dtype=jnp.int32) & (_K - 1)))
    return seg

# --- scband reference (transcript-rebuilt; emitter-appended) ---
"""Pipeline reference for scband-base-model-54571854463302 (READ-ONLY COPY).

The authoritative reference and input builder live on the scoring server;
editing this copy changes nothing except your own understanding.
"""

import jax, jax.numpy as jnp
import numpy as np

N_ATOMS = 100000
D = 128
N_SYSTEMS = 1024


def setup_inputs(seed: int = 0) -> dict:
    key = jax.random.key(seed)
    k0, k1, k2 = jax.random.split(key, 3)
    node_embedding = jax.random.normal(k0, (N_ATOMS, D), dtype=jnp.float32)
    batch = jnp.sort(jax.random.randint(k1, (N_ATOMS,), 0, N_SYSTEMS)).astype(jnp.int64)
    # Learned params for the custom head for target 'energy':
    # num_layers=0 hidden Dense layers, then final Dense(edge_embedding_dim=128 -> output_shape=1, no activation)
    Wout = jax.random.normal(k2, (D, 1), dtype=jnp.float32) * (1.0 / np.sqrt(D))
    bout = jnp.zeros((1,), dtype=jnp.float32)
    return {"node_embedding": node_embedding, "batch": batch, "Wout": Wout, "bout": bout}


def reference(node_embedding, batch, Wout, bout):
    # BaseModel.forward for a single output target 'energy' with custom_head=True,
    # no 'irrep_dim' (node-level head), num_layers=0, level='system', reduce='add'.
    # pred = self.module_dict['energy'](out['node_embedding'])  -> final Dense(128,1), no activation
    pred = node_embedding @ Wout + bout  # [N_ATOMS, 1]
    # scatter_det(pred, batch, dim=0, dim_size=num_systems, reduce='add')
    pred = jax.ops.segment_sum(pred, batch, num_segments=N_SYSTEMS)  # [N_SYSTEMS, 1]
    # results[target] = pred.squeeze(1)
    return pred.squeeze(1)

if __name__ == "__main__":
    import jax
    _d = setup_inputs()
    print(jax.jit(kernel)(*tuple(_d.values())))

</pallas_src>

<mosaic_0001>
#map = affine_map<(d0, d1) -> (0)>
module attributes {stable_mosaic.version = 14 : i64} {
  func.func @_segment_body(%arg0: i32, %arg1: i32, %arg2: memref<100352xf32, #tpu.memory_space<hbm>>, %arg3: memref<100000xi32, #tpu.memory_space<hbm>>, %arg4: memref<1024xf32, #tpu.memory_space<hbm>>, %arg5: memref<7168xf32, #tpu.memory_space<vmem>>, %arg6: memref<7168xi32, #tpu.memory_space<vmem>>, %arg7: memref<6816xf32, #tpu.memory_space<vmem>>, %arg8: memref<6816xi32, #tpu.memory_space<vmem>>, %arg9: memref<1024xf32, #tpu.memory_space<vmem>>, %arg10: memref<4096xf32, #tpu.memory_space<vmem>>, %arg11: memref<4096xf32, #tpu.memory_space<vmem_shared>>, %arg12: memref<!tpu.dma_semaphore, #tpu.memory_space<semaphore_mem>>) attributes {dimension_semantics = [#tpu.dimension_semantics<core_parallel>, #tpu.dimension_semantics<subcore_parallel>], iteration_bounds = array<i64: 2, 16>, scalar_prefetch = 0 : i64, scratch_operands = 8 : i64, tpu.core_type = #tpu.core_type<sc_vector_subcore>, window_params = [{transform_indices = #map}, {transform_indices = #map}, {transform_indices = #map}]} {
    %eq3A = arith.constant 0 : i32
    %eq3A_0 = arith.cmpi eq, %arg0, %eq3A : i32
    %lt3A = arith.constant 13 : i32
    %lt3A_1 = arith.cmpi slt, %arg1, %lt3A : i32
    %and3A = arith.andi %eq3A_0, %lt3A_1 : i1
    %convert_element_type3A = arith.extui %and3A : i1 to i32
    %cond3A = arith.constant 0 : i32
    %cond3A_2 = arith.cmpi ne, %convert_element_type3A, %cond3A : i32
    scf.if %cond3A_2 {
      %mul3A = arith.constant 7168 : i32
      %mul3A_44 = arith.muli %arg1, %mul3A : i32
      %dma_start3A = tpu.memref_slice %arg3[%mul3A_44] : memref<100000xi32, #tpu.memory_space<hbm>> -> memref<7168xi32, #tpu.memory_space<hbm>>
      %dma_start3A_45 = tpu.memref_slice %arg3[%mul3A_44] : memref<100000xi32, #tpu.memory_space<hbm>> -> memref<7168xi32, #tpu.memory_space<hbm>>
      tpu.enqueue_dma source(%dma_start3A_45 : memref<7168xi32, #tpu.memory_space<hbm>>) target(%arg6 : memref<7168xi32, #tpu.memory_space<vmem>>) target_semaphore(%arg12 : memref<!tpu.dma_semaphore, #tpu.memory_space<semaphore_mem>>)
      %mul3A_46 = arith.constant 7168 : i32
      %mul3A_47 = arith.muli %arg1, %mul3A_46 : i32
      %dma_start3A_48 = tpu.memref_slice %arg2[%mul3A_47] : memref<100352xf32, #tpu.memory_space<hbm>> -> memref<7168xf32, #tpu.memory_space<hbm>>
      %dma_start3A_49 = tpu.memref_slice %arg2[%mul3A_47] : memref<100352xf32, #tpu.memory_space<hbm>> -> memref<7168xf32, #tpu.memory_space<hbm>>
      tpu.enqueue_dma source(%dma_start3A_49 : memref<7168xf32, #tpu.memory_space<hbm>>) target(%arg5 : memref<7168xf32, #tpu.memory_space<vmem>>) target_semaphore(%arg12 : memref<!tpu.dma_semaphore, #tpu.memory_space<semaphore_mem>>)
    } else {
    }
    %eq3A_3 = arith.constant 0 : i32
    %eq3A_4 = arith.cmpi eq, %arg0, %eq3A_3 : i32
    %eq3A_5 = arith.constant 13 : i32
    %eq3A_6 = arith.cmpi eq, %arg1, %eq3A_5 : i32
    %and3A_7 = arith.andi %eq3A_4, %eq3A_6 : i1
    %convert_element_type3A_8 = arith.extui %and3A_7 : i1 to i32
    %cond3A_9 = arith.constant 0 : i32
    %cond3A_10 = arith.cmpi ne, %convert_element_type3A_8, %cond3A_9 : i32
    scf.if %cond3A_10 {
      %dma_start3A = arith.constant 93184 : i32
      %dma_start3A_44 = tpu.memref_slice %arg3[%dma_start3A] : memref<100000xi32, #tpu.memory_space<hbm>> -> memref<6816xi32, #tpu.memory_space<hbm>>
      %dma_start3A_45 = arith.constant 93184 : i32
      %dma_start3A_46 = tpu.memref_slice %arg3[%dma_start3A_45] : memref<100000xi32, #tpu.memory_space<hbm>> -> memref<6816xi32, #tpu.memory_space<hbm>>
      tpu.enqueue_dma source(%dma_start3A_46 : memref<6816xi32, #tpu.memory_space<hbm>>) target(%arg8 : memref<6816xi32, #tpu.memory_space<vmem>>) target_semaphore(%arg12 : memref<!tpu.dma_semaphore, #tpu.memory_space<semaphore_mem>>)
      %dma_start3A_47 = arith.constant 93184 : i32
      %dma_start3A_48 = tpu.memref_slice %arg2[%dma_start3A_47] : memref<100352xf32, #tpu.memory_space<hbm>> -> memref<6816xf32, #tpu.memory_space<hbm>>
      %dma_start3A_49 = arith.constant 93184 : i32
      %dma_start3A_50 = tpu.memref_slice %arg2[%dma_start3A_49] : memref<100352xf32, #tpu.memory_space<hbm>> -> memref<6816xf32, #tpu.memory_space<hbm>>
      tpu.enqueue_dma source(%dma_start3A_50 : memref<6816xf32, #tpu.memory_space<hbm>>) target(%arg7 : memref<6816xf32, #tpu.memory_space<vmem>>) target_semaphore(%arg12 : memref<!tpu.dma_semaphore, #tpu.memory_space<semaphore_mem>>)
    } else {
    }
    %eq3A_11 = arith.constant 0 : i32
    %eq3A_12 = arith.cmpi eq, %arg0, %eq3A_11 : i32
    %eq3A_13 = arith.constant 0 : i32
    %eq3A_14 = arith.cmpi eq, %arg1, %eq3A_13 : i32
    %and3A_15 = arith.andi %eq3A_12, %eq3A_14 : i1
    %convert_element_type3A_16 = arith.extui %and3A_15 : i1 to i32
    %cond3A_17 = arith.constant 0 : i32
    %cond3A_18 = arith.cmpi ne, %convert_element_type3A_16, %cond3A_17 : i32
    scf.if %cond3A_18 {
      %broadcast_in_dim3A = arith.constant 0.000000e+00 : f32
      %broadcast_in_dim3A_44 = vector.broadcast %broadcast_in_dim3A : f32 to vector<16xf32>
      %swap3A = arith.constant 0 : index
      %swap3A_45 = tpu.vector_load %arg9[%swap3A] {strides = array<i32>} : memref<1024xf32, #tpu.memory_space<vmem>>, vector<16xf32>,
      %swap3A_46 = vector.shape_cast %swap3A_45 : vector<16xf32> to vector<16xf32>
      %swap3A_47 = vector.shape_cast %broadcast_in_dim3A_44 : vector<16xf32> to vector<16xf32>
      tpu.vector_store %arg9[%swap3A], %swap3A_47 {strides = array<i32>} : memref<1024xf32, #tpu.memory_space<vmem>>, vector<16xf32>,
      %broadcast_in_dim3A_48 = arith.constant 0.000000e+00 : f32
      %broadcast_in_dim3A_49 = vector.broadcast %broadcast_in_dim3A_48 : f32 to vector<16xf32>
      %swap3A_50 = arith.constant 16 : index
      %swap3A_51 = tpu.vector_load %arg9[%swap3A_50] {strides = array<i32>} : memref<1024xf32, #tpu.memory_space<vmem>>, vector<16xf32>,
      %swap3A_52 = vector.shape_cast %swap3A_51 : vector<16xf32> to vector<16xf32>
      %swap3A_53 = vector.shape_cast %broadcast_in_dim3A_49 : vector<16xf32> to vector<16xf32>
      tpu.vector_store %arg9[%swap3A_50], %swap3A_53 {strides = array<i32>} : memref<1024xf32, #tpu.memory_space<vmem>>, vector<16xf32>,
      %broadcast_in_dim3A_54 = arith.constant 0.000000e+00 : f32
      %broadcast_in_dim3A_55 = vector.broadcast %broadcast_in_dim3A_54 : f32 to vector<16xf32>
      %swap3A_56 = arith.constant 32 : index
      %swap3A_57 = tpu.vector_load %arg9[%swap3A_56] {strides = array<i32>} : memref<1024xf32, #tpu.memory_space<vmem>>, vector<16xf32>,
      %swap3A_58 = vector.shape_cast %swap3A_57 : vector<16xf32> to vector<16xf32>
      %swap3A_59 = vector.shape_cast %broadcast_in_dim3A_55 : vector<16xf32> to vector<16xf32>
      tpu.vector_store %arg9[%swap3A_56], %swap3A_59 {strides = array<i32>} : memref<1024xf32, #tpu.memory_space<vmem>>, vector<16xf32>,
      %broadcast_in_dim3A_60 = arith.constant 0.000000e+00 : f32
      %broadcast_in_dim3A_61 = vector.broadcast %broadcast_in_dim3A_60 : f32 to vector<16xf32>
      %swap3A_62 = arith.constant 48 : index
      %swap3A_63 = tpu.vector_load %arg9[%swap3A_62] {strides = array<i32>} : memref<1024xf32, #tpu.memory_space<vmem>>, vector<16xf32>,
      %swap3A_64 = vector.shape_cast %swap3A_63 : vector<16xf32> to vector<16xf32>
      %swap3A_65 = vector.shape_cast %broadcast_in_dim3A_61 : vector<16xf32> to vector<16xf32>
      tpu.vector_store %arg9[%swap3A_62], %swap3A_65 {strides = array<i32>} : memref<1024xf32, #tpu.memory_space<vmem>>, vector<16xf32>,
      %broadcast_in_dim3A_66 = arith.constant 0.000000e+00 : f32
      %broadcast_in_dim3A_67 = vector.broadcast %broadcast_in_dim3A_66 : f32 to vector<16xf32>
      %swap3A_68 = arith.constant 64 : index
      %swap3A_69 = tpu.vector_load %arg9[%swap3A_68] {strides = array<i32>} : memref<1024xf32, #tpu.memory_space<vmem>>, vector<16xf32>,
      %swap3A_70 = vector.shape_cast %swap3A_69 : vector<16xf32> to vector<16xf32>
      %swap3A_71 = vector.shape_cast %broadcast_in_dim3A_67 : vector<16xf32> to vector<16xf32>
      tpu.vector_store %arg9[%swap3A_68], %swap3A_71 {strides = array<i32>} : memref<1024xf32, #tpu.memory_space<vmem>>, vector<16xf32>,
      %broadcast_in_dim3A_72 = arith.constant 0.000000e+00 : f32
      %broadcast_in_dim3A_73 = vector.broadcast %broadcast_in_dim3A_72 : f32 to vector<16xf32>
      %swap3A_74 = arith.constant 80 : index
      %swap3A_75 = tpu.vector_load %arg9[%swap3A_74] {strides = array<i32>} : memref<1024xf32, #tpu.memory_space<vmem>>, vector<16xf32>,
      %swap3A_76 = vector.shape_cast %swap3A_75 : vector<16xf32> to vector<16xf32>
      %swap3A_77 = vector.shape_cast %broadcast_in_dim3A_73 : vector<16xf32> to vector<16xf32>
      tpu.vector_store %arg9[%swap3A_74], %swap3A_77 {strides = array<i32>} : memref<1024xf32, #tpu.memory_space<vmem>>, vector<16xf32>,
      %broadcast_in_dim3A_78 = arith.constant 0.000000e+00 : f32
      %broadcast_in_dim3A_79 = vector.broadcast %broadcast_in_dim3A_78 : f32 to vector<16xf32>
      %swap3A_80 = arith.constant 96 : index
      %swap3A_81 = tpu.vector_load %arg9[%swap3A_80] {strides = array<i32>} : memref<1024xf32, #tpu.memory_space<vmem>>, vector<16xf32>,
      %swap3A_82 = vector.shape_cast %swap3A_81 : vector<16xf32> to vector<16xf32>
      %swap3A_83 = vector.shape_cast %broadcast_in_dim3A_79 : vector<16xf32> to vector<16xf32>
      tpu.vector_store %arg9[%swap3A_80], %swap3A_83 {strides = array<i32>} : memref<1024xf32, #tpu.memory_space<vmem>>, vector<16xf32>,
      %broadcast_in_dim3A_84 = arith.constant 0.000000e+00 : f32
      %broadcast_in_dim3A_85 = vector.broadcast %broadcast_in_dim3A_84 : f32 to vector<16xf32>
      %swap3A_86 = arith.constant 112 : index
      %swap3A_87 = tpu.vector_load %arg9[%swap3A_86] {strides = array<i32>} : memref<1024xf32, #tpu.memory_space<vmem>>, vector<16xf32>,
      %swap3A_88 = vector.shape_cast %swap3A_87 : vector<16xf32> to vector<16xf32>
      %swap3A_89 = vector.shape_cast %broadcast_in_dim3A_85 : vector<16xf32> to vector<16xf32>
      tpu.vector_store %arg9[%swap3A_86], %swap3A_89 {strides = array<i32>} : memref<1024xf32, #tpu.memory_space<vmem>>, vector<16xf32>,
      %broadcast_in_dim3A_90 = arith.constant 0.000000e+00 : f32
      %broadcast_in_dim3A_91 = vector.broadcast %broadcast_in_dim3A_90 : f32 to vector<16xf32>
      %swap3A_92 = arith.constant 128 : index
      %swap3A_93 = tpu.vector_load %arg9[%swap3A_92] {strides = array<i32>} : memref<1024xf32, #tpu.memory_space<vmem>>, vector<16xf32>,
      %swap3A_94 = vector.shape_cast %swap3A_93 : vector<16xf32> to vector<16xf32>
      %swap3A_95 = vector.shape_cast %broadcast_in_dim3A_91 : vector<16xf32> to vector<16xf32>
      tpu.vector_store %arg9[%swap3A_92], %swap3A_95 {strides = array<i32>} : memref<1024xf32, #tpu.memory_space<vmem>>, vector<16xf32>,
      %broadcast_in_dim3A_96 = arith.constant 0.000000e+00 : f32
      %broadcast_in_dim3A_97 = vector.broadcast %broadcast_in_dim3A_96 : f32 to vector<16xf32>
      %swap3A_98 = arith.constant 144 : index
      %swap3A_99 = tpu.vector_load %arg9[%swap3A_98] {strides = array<i32>} : memref<1024xf32, #tpu.memory_space<vmem>>, vector<16xf32>,
      %swap3A_100 = vector.shape_cast %swap3A_99 : vector<16xf32> to vector<16xf32>
      %swap3A_101 = vector.shape_cast %broadcast_in_dim3A_97 : vector<16xf32> to vector<16xf32>
      tpu.vector_store %arg9[%swap3A_98], %swap3A_101 {strides = array<i32>} : memref<1024xf32, #tpu.memory_space<vmem>>, vector<16xf32>,
      %broadcast_in_dim3A_102 = arith.constant 0.000000e+00 : f32
      %broadcast_in_dim3A_103 = vector.broadcast %broadcast_in_dim3A_102 : f32 to vector<16xf32>
      %swap3A_104 = arith.constant 160 : index
      %swap3A_105 = tpu.vector_load %arg9[%swap3A_104] {strides = array<i32>} : memref<1024xf32, #tpu.memory_space<vmem>>, vector<16xf32>,
      %swap3A_106 = vector.shape_cast %swap3A_105 : vector<16xf32> to vector<16xf32>
      %swap3A_107 = vector.shape_cast %broadcast_in_dim3A_103 : vector<16xf32> to vector<16xf32>
      tpu.vector_store %arg9[%swap3A_104], %swap3A_107 {strides = array<i32>} : memref<1024xf32, #tpu.memory_space<vmem>>, vector<16xf32>,
      %broadcast_in_dim3A_108 = arith.constant 0.000000e+00 : f32
      %broadcast_in_dim3A_109 = vector.broadcast %broadcast_in_dim3A_108 : f32 to vector<16xf32>
      %swap3A_110 = arith.constant 176 : index
      %swap3A_111 = tpu.vector_load %arg9[%swap3A_110] {strides = array<i32>} : memref<1024xf32, #tpu.memory_space<vmem>>, vector<16xf32>,
      %swap3A_112 = vector.shape_cast %swap3A_111 : vector<16xf32> to vector<16xf32>
      %swap3A_113 = vector.shape_cast %broadcast_in_dim3A_109 : vector<16xf32> to vector<16xf32>
      tpu.vector_store %arg9[%swap3A_110], %swap3A_113 {strides = array<i32>} : memref<1024xf32, #tpu.memory_space<vmem>>, vector<16xf32>,
      %broadcast_in_dim3A_114 = arith.constant 0.000000e+00 : f32
      %broadcast_in_dim3A_115 = vector.broadcast %broadcast_in_dim3A_114 : f32 to vector<16xf32>
      %swap3A_116 = arith.constant 192 : index
      %swap3A_117 = tpu.vector_load %arg9[%swap3A_116] {strides = array<i32>} : memref<1024xf32, #tpu.memory_space<vmem>>, vector<16xf32>,
      %swap3A_118 = vector.shape_cast %swap3A_117 : vector<16xf32> to vector<16xf32>
      %swap3A_119 = vector.shape_cast %broadcast_in_dim3A_115 : vector<16xf32> to vector<16xf32>
      tpu.vector_store %arg9[%swap3A_116], %swap3A_119 {strides = array<i32>} : memref<1024xf32, #tpu.memory_space<vmem>>, vector<16xf32>,
      %broadcast_in_dim3A_120 = arith.constant 0.000000e+00 : f32
      %broadcast_in_dim3A_121 = vector.broadcast %broadcast_in_dim3A_120 : f32 to vector<16xf32>
      %swap3A_122 = arith.constant 208 : index
      %swap3A_123 = tpu.vector_load %arg9[%swap3A_122] {strides = array<i32>} : memref<1024xf32, #tpu.memory_space<vmem>>, vector<16xf32>,
      %swap3A_124 = vector.shape_cast %swap3A_123 : vector<16xf32> to vector<16xf32>
      %swap3A_125 = vector.shape_cast %broadcast_in_dim3A_121 : vector<16xf32> to vector<16xf32>
      tpu.vector_store %arg9[%swap3A_122], %swap3A_125 {strides = array<i32>} : memref<1024xf32, #tpu.memory_space<vmem>>, vector<16xf32>,
      %broadcast_in_dim3A_126 = arith.constant 0.000000e+00 : f32
      %broadcast_in_dim3A_127 = vector.broadcast %broadcast_in_dim3A_126 : f32 to vector<16xf32>
      %swap3A_128 = arith.constant 224 : index
      %swap3A_129 = tpu.vector_load %arg9[%swap3A_128] {strides = array<i32>} : memref<1024xf32, #tpu.memory_space<vmem>>, vector<16xf32>,
      %swap3A_130 = vector.shape_cast %swap3A_129 : vector<16xf32> to vector<16xf32>
      %swap3A_131 = vector.shape_cast %broadcast_in_dim3A_127 : vector<16xf32> to vector<16xf32>
      tpu.vector_store %arg9[%swap3A_128], %swap3A_131 {strides = array<i32>} : memref<1024xf32, #tpu.memory_space<vmem>>, vector<16xf32>,
      %broadcast_in_dim3A_132 = arith.constant 0.000000e+00 : f32
      %broadcast_in_dim3A_133 = vector.broadcast %broadcast_in_dim3A_132 : f32 to vector<16xf32>
      %swap3A_134 = arith.constant 240 : index
      %swap3A_135 = tpu.vector_load %arg9[%swap3A_134] {strides = array<i32>} : memref<1024xf32, #tpu.memory_space<vmem>>, vector<16xf32>,
      %swap3A_136 = vector.shape_cast %swap3A_135 : vector<16xf32> to vector<16xf32>
      %swap3A_137 = vector.shape_cast %broadcast_in_dim3A_133 : vector<16xf32> to vector<16xf32>
      tpu.vector_store %arg9[%swap3A_134], %swap3A_137 {strides = array<i32>} : memref<1024xf32, #tpu.memory_space<vmem>>, vector<16xf32>,
      %broadcast_in_dim3A_138 = arith.constant 0.000000e+00 : f32
      %broadcast_in_dim3A_139 = vector.broadcast %broadcast_in_dim3A_138 : f32 to vector<16xf32>
      %swap3A_140 = arith.constant 256 : index
      %swap3A_141 = tpu.vector_load %arg9[%swap3A_140] {strides = array<i32>} : memref<1024xf32, #tpu.memory_space<vmem>>, vector<16xf32>,
      %swap3A_142 = vector.shape_cast %swap3A_141 : vector<16xf32> to vector<16xf32>
      %swap3A_143 = vector.shape_cast %broadcast_in_dim3A_139 : vector<16xf32> to vector<16xf32>
      tpu.vector_store %arg9[%swap3A_140], %swap3A_143 {strides = array<i32>} : memref<1024xf32, #tpu.memory_space<vmem>>, vector<16xf32>,
      %broadcast_in_dim3A_144 = arith.constant 0.000000e+00 : f32
      %broadcast_in_dim3A_145 = vector.broadcast %broadcast_in_dim3A_144 : f32 to vector<16xf32>
      %swap3A_146 = arith.constant 272 : index
      %swap3A_147 = tpu.vector_load %arg9[%swap3A_146] {strides = array<i32>} : memref<1024xf32, #tpu.memory_space<vmem>>, vector<16xf32>,
      %swap3A_148 = vector.shape_cast %swap3A_147 : vector<16xf32> to vector<16xf32>
      %swap3A_149 = vector.shape_cast %broadcast_in_dim3A_145 : vector<16xf32> to vector<16xf32>
      tpu.vector_store %arg9[%swap3A_146], %swap3A_149 {strides = array<i32>} : memref<1024xf32, #tpu.memory_space<vmem>>, vector<16xf32>,
      %broadcast_in_dim3A_150 = arith.constant 0.000000e+00 : f32
      %broadcast_in_dim3A_151 = vector.broadcast %broadcast_in_dim3A_150 : f32 to vector<16xf32>
      %swap3A_152 = arith.constant 288 : index
      %swap3A_153 = tpu.vector_load %arg9[%swap3A_152] {strides = array<i32>} : memref<1024xf32, #tpu.memory_space<vmem>>, vector<16xf32>,
      %swap3A_154 = vector.shape_cast %swap3A_153 : vector<16xf32> to vector<16xf32>
      %swap3A_155 = vector.shape_cast %broadcast_in_dim3A_151 : vector<16xf32> to vector<16xf32>
      tpu.vector_store %arg9[%swap3A_152], %swap3A_155 {strides = array<i32>} : memref<1024xf32, #tpu.memory_space<vmem>>, vector<16xf32>,
      %broadcast_in_dim3A_156 = arith.constant 0.000000e+00 : f32
      %broadcast_in_dim3A_157 = vector.broadcast %broadcast_in_dim3A_156 : f32 to vector<16xf32>
      %swap3A_158 = arith.constant 304 : index
      %swap3A_159 = tpu.vector_load %arg9[%swap3A_158] {strides = array<i32>} : memref<1024xf32, #tpu.memory_space<vmem>>, vector<16xf32>,
      %swap3A_160 = vector.shape_cast %swap3A_159 : vector<16xf32> to vector<16xf32>
      %swap3A_161 = vector.shape_cast %broadcast_in_dim3A_157 : vector<16xf32> to vector<16xf32>
      tpu.vector_store %arg9[%swap3A_158], %swap3A_161 {strides = array<i32>} : memref<1024xf32, #tpu.memory_space<vmem>>, vector<16xf32>,
      %broadcast_in_dim3A_162 = arith.constant 0.000000e+00 : f32
      %broadcast_in_dim3A_163 = vector.broadcast %broadcast_in_dim3A_162 : f32 to vector<16xf32>
      %swap3A_164 = arith.constant 320 : index
      %swap3A_165 = tpu.vector_load %arg9[%swap3A_164] {strides = array<i32>} : memref<1024xf32, #tpu.memory_space<vmem>>, vector<16xf32>,
      %swap3A_166 = vector.shape_cast %swap3A_165 : vector<16xf32> to vector<16xf32>
      %swap3A_167 = vector.shape_cast %broadcast_in_dim3A_163 : vector<16xf32> to vector<16xf32>
      tpu.vector_store %arg9[%swap3A_164], %swap3A_167 {strides = array<i32>} : memref<1024xf32, #tpu.memory_space<vmem>>, vector<16xf32>,
      %broadcast_in_dim3A_168 = arith.constant 0.000000e+00 : f32
      %broadcast_in_dim3A_169 = vector.broadcast %broadcast_in_dim3A_168 : f32 to vector<16xf32>
      %swap3A_170 = arith.constant 336 : index
      %swap3A_171 = tpu.vector_load %arg9[%swap3A_170] {strides = array<i32>} : memref<1024xf32, #tpu.memory_space<vmem>>, vector<16xf32>,
      %swap3A_172 = vector.shape_cast %swap3A_171 : vector<16xf32> to vector<16xf32>
      %swap3A_173 = vector.shape_cast %broadcast_in_dim3A_169 : vector<16xf32> to vector<16xf32>
      tpu.vector_store %arg9[%swap3A_170], %swap3A_173 {strides = array<i32>} : memref<1024xf32, #tpu.memory_space<vmem>>, vector<16xf32>,
      %broadcast_in_dim3A_174 = arith.constant 0.000000e+00 : f32
      %broadcast_in_dim3A_175 = vector.broadcast %broadcast_in_dim3A_174 : f32 to vector<16xf32>
      %swap3A_176 = arith.constant 352 : index
      %swap3A_177 = tpu.vector_load %arg9[%swap3A_176] {strides = array<i32>} : memref<1024xf32, #tpu.memory_space<vmem>>, vector<16xf32>,
      %swap3A_178 = vector.shape_cast %swap3A_177 : vector<16xf32> to vector<16xf32>
      %swap3A_179 = vector.shape_cast %broadcast_in_dim3A_175 : vector<16xf32> to vector<16xf32>
      tpu.vector_store %arg9[%swap3A_176], %swap3A_179 {strides = array<i32>} : memref<1024xf32, #tpu.memory_space<vmem>>, vector<16xf32>,
      %broadcast_in_dim3A_180 = arith.constant 0.000000e+00 : f32
      %broadcast_in_dim3A_181 = vector.broadcast %broadcast_in_dim3A_180 : f32 to vector<16xf32>
      %swap3A_182 = arith.constant 368 : index
      %swap3A_183 = tpu.vector_load %arg9[%swap3A_182] {strides = array<i32>} : memref<1024xf32, #tpu.memory_space<vmem>>, vector<16xf32>,
      %swap3A_184 = vector.shape_cast %swap3A_183 : vector<16xf32> to vector<16xf32>
      %swap3A_185 = vector.shape_cast %broadcast_in_dim3A_181 : vector<16xf32> to vector<16xf32>
      tpu.vector_store %arg9[%swap3A_182], %swap3A_185 {strides = array<i32>} : memref<1024xf32, #tpu.memory_space<vmem>>, vector<16xf32>,
      %broadcast_in_dim3A_186 = arith.constant 0.000000e+00 : f32
      %broadcast_in_dim3A_187 = vector.broadcast %broadcast_in_dim3A_186 : f32 to vector<16xf32>
      %swap3A_188 = arith.constant 384 : index
      %swap3A_189 = tpu.vector_load %arg9[%swap3A_188] {strides = array<i32>} : memref<1024xf32, #tpu.memory_space<vmem>>, vector<16xf32>,
      %swap3A_190 = vector.shape_cast %swap3A_189 : vector<16xf32> to vector<16xf32>
      %swap3A_191 = vector.shape_cast %broadcast_in_dim3A_187 : vector<16xf32> to vector<16xf32>
      tpu.vector_store %arg9[%swap3A_188], %swap3A_191 {strides = array<i32>} : memref<1024xf32, #tpu.memory_space<vmem>>, vector<16xf32>,
      %broadcast_in_dim3A_192 = arith.constant 0.000000e+00 : f32
      %broadcast_in_dim3A_193 = vector.broadcast %broadcast_in_dim3A_192 : f32 to vector<16xf32>
      %swap3A_194 = arith.constant 400 : index
      %swap3A_195 = tpu.vector_load %arg9[%swap3A_194] {strides = array<i32>} : memref<1024xf32, #tpu.memory_space<vmem>>, vector<16xf32>,
      %swap3A_196 = vector.shape_cast %swap3A_195 : vector<16xf32> to vector<16xf32>
      %swap3A_197 = vector.shape_cast %broadcast_in_dim3A_193 : vector<16xf32> to vector<16xf32>
      tpu.vector_store %arg9[%swap3A_194], %swap3A_197 {strides = array<i32>} : memref<1024xf32, #tpu.memory_space<vmem>>, vector<16xf32>,
      %broadcast_in_dim3A_198 = arith.constant 0.000000e+00 : f32
      %broadcast_in_dim3A_199 = vector.broadcast %broadcast_in_dim3A_198 : f32 to vector<16xf32>
      %swap3A_200 = arith.constant 416 : index
      %swap3A_201 = tpu.vector_load %arg9[%swap3A_200] {strides = array<i32>} : memref<1024xf32, #tpu.memory_space<vmem>>, vector<16xf32>,
      %swap3A_202 = vector.shape_cast %swap3A_201 : vector<16xf32> to vector<16xf32>
      %swap3A_203 = vector.shape_cast %broadcast_in_dim3A_199 : vector<16xf32> to vector<16xf32>
      tpu.vector_store %arg9[%swap3A_200], %swap3A_203 {strides = array<i32>} : memref<1024xf32, #tpu.memory_space<vmem>>, vector<16xf32>,
      %broadcast_in_dim3A_204 = arith.constant 0.000000e+00 : f32
      %broadcast_in_dim3A_205 = vector.broadcast %broadcast_in_dim3A_204 : f32 to vector<16xf32>
      %swap3A_206 = arith.constant 432 : index
      %swap3A_207 = tpu.vector_load %arg9[%swap3A_206] {strides = array<i32>} : memref<1024xf32, #tpu.memory_space<vmem>>, vector<16xf32>,
      %swap3A_208 = vector.shape_cast %swap3A_207 : vector<16xf32> to vector<16xf32>
      %swap3A_209 = vector.shape_cast %broadcast_in_dim3A_205 : vector<16xf32> to vector<16xf32>
      tpu.vector_store %arg9[%swap3A_206], %swap3A_209 {strides = array<i32>} : memref<1024xf32, #tpu.memory_space<vmem>>, vector<16xf32>,
      %broadcast_in_dim3A_210 = arith.constant 0.000000e+00 : f32
      %broadcast_in_dim3A_211 = vector.broadcast %broadcast_in_dim3A_210 : f32 to vector<16xf32>
      %swap3A_212 = arith.constant 448 : index
      %swap3A_213 = tpu.vector_load %arg9[%swap3A_212] {strides = array<i32>} : memref<1024xf32, #tpu.memory_space<vmem>>, vector<16xf32>,
      %swap3A_214 = vector.shape_cast %swap3A_213 : vector<16xf32> to vector<16xf32>
      %swap3A_215 = vector.shape_cast %broadcast_in_dim3A_211 : vector<16xf32> to vector<16xf32>
      tpu.vector_store %arg9[%swap3A_212], %swap3A_215 {strides = array<i32>} : memref<1024xf32, #tpu.memory_space<vmem>>, vector<16xf32>,
      %broadcast_in_dim3A_216 = arith.constant 0.000000e+00 : f32
      %broadcast_in_dim3A_217 = vector.broadcast %broadcast_in_dim3A_216 : f32 to vector<16xf32>
      %swap3A_218 = arith.constant 464 : index
      %swap3A_219 = tpu.vector_load %arg9[%swap3A_218] {strides = array<i32>} : memref<1024xf32, #tpu.memory_space<vmem>>, vector<16xf32>,
      %swap3A_220 = vector.shape_cast %swap3A_219 : vector<16xf32> to vector<16xf32>
      %swap3A_221 = vector.shape_cast %broadcast_in_dim3A_217 : vector<16xf32> to vector<16xf32>
      tpu.vector_store %arg9[%swap3A_218], %swap3A_221 {strides = array<i32>} : memref<1024xf32, #tpu.memory_space<vmem>>, vector<16xf32>,
      %broadcast_in_dim3A_222 = arith.constant 0.000000e+00 : f32
      %broadcast_in_dim3A_223 = vector.broadcast %broadcast_in_dim3A_222 : f32 to vector<16xf32>
      %swap3A_224 = arith.constant 480 : index
      %swap3A_225 = tpu.vector_load %arg9[%swap3A_224] {strides = array<i32>} : memref<1024xf32, #tpu.memory_space<vmem>>, vector<16xf32>,
      %swap3A_226 = vector.shape_cast %swap3A_225 : vector<16xf32> to vector<16xf32>
      %swap3A_227 = vector.shape_cast %broadcast_in_dim3A_223 : vector<16xf32> to vector<16xf32>
      tpu.vector_store %arg9[%swap3A_224], %swap3A_227 {strides = array<i32>} : memref<1024xf32, #tpu.memory_space<vmem>>, vector<16xf32>,
      %broadcast_in_dim3A_228 = arith.constant 0.000000e+00 : f32
      %broadcast_in_dim3A_229 = vector.broadcast %broadcast_in_dim3A_228 : f32 to vector<16xf32>
      %swap3A_230 = arith.constant 496 : index
      %swap3A_231 = tpu.vector_load %arg9[%swap3A_230] {strides = array<i32>} : memref<1024xf32, #tpu.memory_space<vmem>>, vector<16xf32>,
      %swap3A_232 = vector.shape_cast %swap3A_231 : vector<16xf32> to vector<16xf32>
      %swap3A_233 = vector.shape_cast %broadcast_in_dim3A_229 : vector<16xf32> to vector<16xf32>
      tpu.vector_store %arg9[%swap3A_230], %swap3A_233 {strides = array<i32>} : memref<1024xf32, #tpu.memory_space<vmem>>, vector<16xf32>,
      %broadcast_in_dim3A_234 = arith.constant 0.000000e+00 : f32
      %broadcast_in_dim3A_235 = vector.broadcast %broadcast_in_dim3A_234 : f32 to vector<16xf32>
      %swap3A_236 = arith.constant 512 : index
      %swap3A_237 = tpu.vector_load %arg9[%swap3A_236] {strides = array<i32>} : memref<1024xf32, #tpu.memory_space<vmem>>, vector<16xf32>,
      %swap3A_238 = vector.shape_cast %swap3A_237 : vector<16xf32> to vector<16xf32>
      %swap3A_239 = vector.shape_cast %broadcast_in_dim3A_235 : vector<16xf32> to vector<16xf32>
      tpu.vector_store %arg9[%swap3A_236], %swap3A_239 {strides = array<i32>} : memref<1024xf32, #tpu.memory_space<vmem>>, vector<16xf32>,
      %broadcast_in_dim3A_240 = arith.constant 0.000000e+00 : f32
      %broadcast_in_dim3A_241 = vector.broadcast %broadcast_in_dim3A_240 : f32 to vector<16xf32>
      %swap3A_242 = arith.constant 528 : index
      %swap3A_243 = tpu.vector_load %arg9[%swap3A_242] {strides = array<i32>} : memref<1024xf32, #tpu.memory_space<vmem>>, vector<16xf32>,
      %swap3A_244 = vector.shape_cast %swap3A_243 : vector<16xf32> to vector<16xf32>
      %swap3A_245 = vector.shape_cast %broadcast_in_dim3A_241 : vector<16xf32> to vector<16xf32>
      tpu.vector_store %arg9[%swap3A_242], %swap3A_245 {strides = array<i32>} : memref<1024xf32, #tpu.memory_space<vmem>>, vector<16xf32>,
      %broadcast_in_dim3A_246 = arith.constant 0.000000e+00 : f32
      %broadcast_in_dim3A_247 = vector.broadcast %broadcast_in_dim3A_246 : f32 to vector<16xf32>
      %swap3A_248 = arith.constant 544 : index
      %swap3A_249 = tpu.vector_load %arg9[%swap3A_248] {strides = array<i32>} : memref<1024xf32, #tpu.memory_space<vmem>>, vector<16xf32>,
      %swap3A_250 = vector.shape_cast %swap3A_249 : vector<16xf32> to vector<16xf32>
      %swap3A_251 = vector.shape_cast %broadcast_in_dim3A_247 : vector<16xf32> to vector<16xf32>
      tpu.vector_store %arg9[%swap3A_248], %swap3A_251 {strides = array<i32>} : memref<1024xf32, #tpu.memory_space<vmem>>, vector<16xf32>,
      %broadcast_in_dim3A_252 = arith.constant 0.000000e+00 : f32
      %broadcast_in_dim3A_253 = vector.broadcast %broadcast_in_dim3A_252 : f32 to vector<16xf32>
      %swap3A_254 = arith.constant 560 : index
      %swap3A_255 = tpu.vector_load %arg9[%swap3A_254] {strides = array<i32>} : memref<1024xf32, #tpu.memory_space<vmem>>, vector<16xf32>,
      %swap3A_256 = vector.shape_cast %swap3A_255 : vector<16xf32> to vector<16xf32>
      %swap3A_257 = vector.shape_cast %broadcast_in_dim3A_253 : vector<16xf32> to vector<16xf32>
      tpu.vector_store %arg9[%swap3A_254], %swap3A_257 {strides = array<i32>} : memref<1024xf32, #tpu.memory_space<vmem>>, vector<16xf32>,
      %broadcast_in_dim3A_258 = arith.constant 0.000000e+00 : f32
      %broadcast_in_dim3A_259 = vector.broadcast %broadcast_in_dim3A_258 : f32 to vector<16xf32>
      %swap3A_260 = arith.constant 576 : index
      %swap3A_261 = tpu.vector_load %arg9[%swap3A_260] {strides = array<i32>} : memref<1024xf32, #tpu.memory_space<vmem>>, vector<16xf32>,
      %swap3A_262 = vector.shape_cast %swap3A_261 : vector<16xf32> to vector<16xf32>
      %swap3A_263 = vector.shape_cast %broadcast_in_dim3A_259 : vector<16xf32> to vector<16xf32>
      tpu.vector_store %arg9[%swap3A_260], %swap3A_263 {strides = array<i32>} : memref<1024xf32, #tpu.memory_space<vmem>>, vector<16xf32>,
      %broadcast_in_dim3A_264 = arith.constant 0.000000e+00 : f32
      %broadcast_in_dim3A_265 = vector.broadcast %broadcast_in_dim3A_264 : f32 to vector<16xf32>
      %swap3A_266 = arith.constant 592 : index
      %swap3A_267 = tpu.vector_load %arg9[%swap3A_266] {strides = array<i32>} : memref<1024xf32, #tpu.memory_space<vmem>>, vector<16xf32>,
      %swap3A_268 = vector.shape_cast %swap3A_267 : vector<16xf32> to vector<16xf32>
      %swap3A_269 = vector.shape_cast %broadcast_in_dim3A_265 : vector<16xf32> to vector<16xf32>
      tpu.vector_store %arg9[%swap3A_266], %swap3A_269 {strides = array<i32>} : memref<1024xf32, #tpu.memory_space<vmem>>, vector<16xf32>,
      %broadcast_in_dim3A_270 = arith.constant 0.000000e+00 : f32
      %broadcast_in_dim3A_271 = vector.broadcast %broadcast_in_dim3A_270 : f32 to vector<16xf32>
      %swap3A_272 = arith.constant 608 : index
      %swap3A_273 = tpu.vector_load %arg9[%swap3A_272] {strides = array<i32>} : memref<1024xf32, #tpu.memory_space<vmem>>, vector<16xf32>,
      %swap3A_274 = vector.shape_cast %swap3A_273 : vector<16xf32> to vector<16xf32>
      %swap3A_275 = vector.shape_cast %broadcast_in_dim3A_271 : vector<16xf32> to vector<16xf32>
      tpu.vector_store %arg9[%swap3A_272], %swap3A_275 {strides = array<i32>} : memref<1024xf32, #tpu.memory_space<vmem>>, vector<16xf32>,
      %broadcast_in_dim3A_276 = arith.constant 0.000000e+00 : f32
      %broadcast_in_dim3A_277 = vector.broadcast %broadcast_in_dim3A_276 : f32 to vector<16xf32>
      %swap3A_278 = arith.constant 624 : index
      %swap3A_279 = tpu.vector_load %arg9[%swap3A_278] {strides = array<i32>} : memref<1024xf32, #tpu.memory_space<vmem>>, vector<16xf32>,
      %swap3A_280 = vector.shape_cast %swap3A_279 : vector<16xf32> to vector<16xf32>
      %swap3A_281 = vector.shape_cast %broadcast_in_dim3A_277 : vector<16xf32> to vector<16xf32>
      tpu.vector_store %arg9[%swap3A_278], %swap3A_281 {strides = array<i32>} : memref<1024xf32, #tpu.memory_space<vmem>>, vector<16xf32>,
      %broadcast_in_dim3A_282 = arith.constant 0.000000e+00 : f32
      %broadcast_in_dim3A_283 = vector.broadcast %broadcast_in_dim3A_282 : f32 to vector<16xf32>
      %swap3A_284 = arith.constant 640 : index
      %swap3A_285 = tpu.vector_load %arg9[%swap3A_284] {strides = array<i32>} : memref<1024xf32, #tpu.memory_space<vmem>>, vector<16xf32>,
      %swap3A_286 = vector.shape_cast %swap3A_285 : vector<16xf32> to vector<16xf32>
      %swap3A_287 = vector.shape_cast %broadcast_in_dim3A_283 : vector<16xf32> to vector<16xf32>
      tpu.vector_store %arg9[%swap3A_284], %swap3A_287 {strides = array<i32>} : memref<1024xf32, #tpu.memory_space<vmem>>, vector<16xf32>,
      %broadcast_in_dim3A_288 = arith.constant 0.000000e+00 : f32
      %broadcast_in_dim3A_289 = vector.broadcast %broadcast_in_dim3A_288 : f32 to vector<16xf32>
      %swap3A_290 = arith.constant 656 : index
      %swap3A_291 = tpu.vector_load %arg9[%swap3A_290] {strides = array<i32>} : memref<1024xf32, #tpu.memory_space<vmem>>, vector<16xf32>,
      %swap3A_292 = vector.shape_cast %swap3A_291 : vector<16xf32> to vector<16xf32>
      %swap3A_293 = vector.shape_cast %broadcast_in_dim3A_289 : vector<16xf32> to vector<16xf32>
      tpu.vector_store %arg9[%swap3A_290], %swap3A_293 {strides = array<i32>} : memref<1024xf32, #tpu.memory_space<vmem>>, vector<16xf32>,
      %broadcast_in_dim3A_294 = arith.constant 0.000000e+00 : f32
      %broadcast_in_dim3A_295 = vector.broadcast %broadcast_in_dim3A_294 : f32 to vector<16xf32>
      %swap3A_296 = arith.constant 672 : index
      %swap3A_297 = tpu.vector_load %arg9[%swap3A_296] {strides = array<i32>} : memref<1024xf32, #tpu.memory_space<vmem>>, vector<16xf32>,
      %swap3A_298 = vector.shape_cast %swap3A_297 : vector<16xf32> to vector<16xf32>
      %swap3A_299 = vector.shape_cast %broadcast_in_dim3A_295 : vector<16xf32> to vector<16xf32>
      tpu.vector_store %arg9[%swap3A_296], %swap3A_299 {strides = array<i32>} : memref<1024xf32, #tpu.memory_space<vmem>>, vector<16xf32>,
      %broadcast_in_dim3A_300 = arith.constant 0.000000e+00 : f32
      %broadcast_in_dim3A_301 = vector.broadcast %broadcast_in_dim3A_300 : f32 to vector<16xf32>
      %swap3A_302 = arith.constant 688 : index
      %swap3A_303 = tpu.vector_load %arg9[%swap3A_302] {strides = array<i32>} : memref<1024xf32, #tpu.memory_space<vmem>>, vector<16xf32>,
      %swap3A_304 = vector.shape_cast %swap3A_303 : vector<16xf32> to vector<16xf32>
      %swap3A_305 = vector.shape_cast %broadcast_in_dim3A_301 : vector<16xf32> to vector<16xf32>
      tpu.vector_store %arg9[%swap3A_302], %swap3A_305 {strides = array<i32>} : memref<1024xf32, #tpu.memory_space<vmem>>, vector<16xf32>,
      %broadcast_in_dim3A_306 = arith.constant 0.000000e+00 : f32
      %broadcast_in_dim3A_307 = vector.broadcast %broadcast_in_dim3A_306 : f32 to vector<16xf32>
      %swap3A_308 = arith.constant 704 : index
      %swap3A_309 = tpu.vector_load %arg9[%swap3A_308] {strides = array<i32>} : memref<1024xf32, #tpu.memory_space<vmem>>, vector<16xf32>,
      %swap3A_310 = vector.shape_cast %swap3A_309 : vector<16xf32> to vector<16xf32>
      %swap3A_311 = vector.shape_cast %broadcast_in_dim3A_307 : vector<16xf32> to vector<16xf32>
      tpu.vector_store %arg9[%swap3A_308], %swap3A_311 {strides = array<i32>} : memref<1024xf32, #tpu.memory_space<vmem>>, vector<16xf32>,
      %broadcast_in_dim3A_312 = arith.constant 0.000000e+00 : f32
      %broadcast_in_dim3A_313 = vector.broadcast %broadcast_in_dim3A_312 : f32 to vector<16xf32>
      %swap3A_314 = arith.constant 720 : index
      %swap3A_315 = tpu.vector_load %arg9[%swap3A_314] {strides = array<i32>} : memref<1024xf32, #tpu.memory_space<vmem>>, vector<16xf32>,
      %swap3A_316 = vector.shape_cast %swap3A_315 : vector<16xf32> to vector<16xf32>
      %swap3A_317 = vector.shape_cast %broadcast_in_dim3A_313 : vector<16xf32> to vector<16xf32>
      tpu.vector_store %arg9[%swap3A_314], %swap3A_317 {strides = array<i32>} : memref<1024xf32, #tpu.memory_space<vmem>>, vector<16xf32>,
      %broadcast_in_dim3A_318 = arith.constant 0.000000e+00 : f32
      %broadcast_in_dim3A_319 = vector.broadcast %broadcast_in_dim3A_318 : f32 to vector<16xf32>
      %swap3A_320 = arith.constant 736 : index
      %swap3A_321 = tpu.vector_load %arg9[%swap3A_320] {strides = array<i32>} : memref<1024xf32, #tpu.memory_space<vmem>>, vector<16xf32>,
      %swap3A_322 = vector.shape_cast %swap3A_321 : vector<16xf32> to vector<16xf32>
      %swap3A_323 = vector.shape_cast %broadcast_in_dim3A_319 : vector<16xf32> to vector<16xf32>
      tpu.vector_store %arg9[%swap3A_320], %swap3A_323 {strides = array<i32>} : memref<1024xf32, #tpu.memory_space<vmem>>, vector<16xf32>,
      %broadcast_in_dim3A_324 = arith.constant 0.000000e+00 : f32
      %broadcast_in_dim3A_325 = vector.broadcast %broadcast_in_dim3A_324 : f32 to vector<16xf32>
      %swap3A_326 = arith.constant 752 : index
      %swap3A_327 = tpu.vector_load %arg9[%swap3A_326] {strides = array<i32>} : memref<1024xf32, #tpu.memory_space<vmem>>, vector<16xf32>,
      %swap3A_328 = vector.shape_cast %swap3A_327 : vector<16xf32> to vector<16xf32>
      %swap3A_329 = vector.shape_cast %broadcast_in_dim3A_325 : vector<16xf32> to vector<16xf32>
      tpu.vector_store %arg9[%swap3A_326], %swap3A_329 {strides = array<i32>} : memref<1024xf32, #tpu.memory_space<vmem>>, vector<16xf32>,
      %broadcast_in_dim3A_330 = arith.constant 0.000000e+00 : f32
      %broadcast_in_dim3A_331 = vector.broadcast %broadcast_in_dim3A_330 : f32 to vector<16xf32>
      %swap3A_332 = arith.constant 768 : index
      %swap3A_333 = tpu.vector_load %arg9[%swap3A_332] {strides = array<i32>} : memref<1024xf32, #tpu.memory_space<vmem>>, vector<16xf32>,
      %swap3A_334 = vector.shape_cast %swap3A_333 : vector<16xf32> to vector<16xf32>
      %swap3A_335 = vector.shape_cast %broadcast_in_dim3A_331 : vector<16xf32> to vector<16xf32>
      tpu.vector_store %arg9[%swap3A_332], %swap3A_335 {strides = array<i32>} : memref<1024xf32, #tpu.memory_space<vmem>>, vector<16xf32>,
      %broadcast_in_dim3A_336 = arith.constant 0.000000e+00 : f32
      %broadcast_in_dim3A_337 = vector.broadcast %broadcast_in_dim3A_336 : f32 to vector<16xf32>
      %swap3A_338 = arith.constant 784 : index
      %swap3A_339 = tpu.vector_load %arg9[%swap3A_338] {strides = array<i32>} : memref<1024xf32, #tpu.memory_space<vmem>>, vector<16xf32>,
      %swap3A_340 = vector.shape_cast %swap3A_339 : vector<16xf32> to vector<16xf32>
      %swap3A_341 = vector.shape_cast %broadcast_in_dim3A_337 : vector<16xf32> to vector<16xf32>
      tpu.vector_store %arg9[%swap3A_338], %swap3A_341 {strides = array<i32>} : memref<1024xf32, #tpu.memory_space<vmem>>, vector<16xf32>,
      %broadcast_in_dim3A_342 = arith.constant 0.000000e+00 : f32
      %broadcast_in_dim3A_343 = vector.broadcast %broadcast_in_dim3A_342 : f32 to vector<16xf32>
      %swap3A_344 = arith.constant 800 : index
      %swap3A_345 = tpu.vector_load %arg9[%swap3A_344] {strides = array<i32>} : memref<1024xf32, #tpu.memory_space<vmem>>, vector<16xf32>,
      %swap3A_346 = vector.shape_cast %swap3A_345 : vector<16xf32> to vector<16xf32>
      %swap3A_347 = vector.shape_cast %broadcast_in_dim3A_343 : vector<16xf32> to vector<16xf32>
      tpu.vector_store %arg9[%swap3A_344], %swap3A_347 {strides = array<i32>} : memref<1024xf32, #tpu.memory_space<vmem>>, vector<16xf32>,
      %broadcast_in_dim3A_348 = arith.constant 0.000000e+00 : f32
      %broadcast_in_dim3A_349 = vector.broadcast %broadcast_in_dim3A_348 : f32 to vector<16xf32>
      %swap3A_350 = arith.constant 816 : index
      %swap3A_351 = tpu.vector_load %arg9[%swap3A_350] {strides = array<i32>} : memref<1024xf32, #tpu.memory_space<vmem>>, vector<16xf32>,
      %swap3A_352 = vector.shape_cast %swap3A_351 : vector<16xf32> to vector<16xf32>
      %swap3A_353 = vector.shape_cast %broadcast_in_dim3A_349 : vector<16xf32> to vector<16xf32>
      tpu.vector_store %arg9[%swap3A_350], %swap3A_353 {strides = array<i32>} : memref<1024xf32, #tpu.memory_space<vmem>>, vector<16xf32>,
      %broadcast_in_dim3A_354 = arith.constant 0.000000e+00 : f32
      %broadcast_in_dim3A_355 = vector.broadcast %broadcast_in_dim3A_354 : f32 to vector<16xf32>
      %swap3A_356 = arith.constant 832 : index
      %swap3A_357 = tpu.vector_load %arg9[%swap3A_356] {strides = array<i32>} : memref<1024xf32, #tpu.memory_space<vmem>>, vector<16xf32>,
      %swap3A_358 = vector.shape_cast %swap3A_357 : vector<16xf32> to vector<16xf32>
      %swap3A_359 = vector.shape_cast %broadcast_in_dim3A_355 : vector<16xf32> to vector<16xf32>
      tpu.vector_store %arg9[%swap3A_356], %swap3A_359 {strides = array<i32>} : memref<1024xf32, #tpu.memory_space<vmem>>, vector<16xf32>,
      %broadcast_in_dim3A_360 = arith.constant 0.000000e+00 : f32
      %broadcast_in_dim3A_361 = vector.broadcast %broadcast_in_dim3A_360 : f32 to vector<16xf32>
      %swap3A_362 = arith.constant 848 : index
      %swap3A_363 = tpu.vector_load %arg9[%swap3A_362] {strides = array<i32>} : memref<1024xf32, #tpu.memory_space<vmem>>, vector<16xf32>,
      %swap3A_364 = vector.shape_cast %swap3A_363 : vector<16xf32> to vector<16xf32>
      %swap3A_365 = vector.shape_cast %broadcast_in_dim3A_361 : vector<16xf32> to vector<16xf32>
      tpu.vector_store %arg9[%swap3A_362], %swap3A_365 {strides = array<i32>} : memref<1024xf32, #tpu.memory_space<vmem>>, vector<16xf32>,
      %broadcast_in_dim3A_366 = arith.constant 0.000000e+00 : f32
      %broadcast_in_dim3A_367 = vector.broadcast %broadcast_in_dim3A_366 : f32 to vector<16xf32>
      %swap3A_368 = arith.constant 864 : index
      %swap3A_369 = tpu.vector_load %arg9[%swap3A_368] {strides = array<i32>} : memref<1024xf32, #tpu.memory_space<vmem>>, vector<16xf32>,
      %swap3A_370 = vector.shape_cast %swap3A_369 : vector<16xf32> to vector<16xf32>
      %swap3A_371 = vector.shape_cast %broadcast_in_dim3A_367 : vector<16xf32> to vector<16xf32>
      tpu.vector_store %arg9[%swap3A_368], %swap3A_371 {strides = array<i32>} : memref<1024xf32, #tpu.memory_space<vmem>>, vector<16xf32>,
      %broadcast_in_dim3A_372 = arith.constant 0.000000e+00 : f32
      %broadcast_in_dim3A_373 = vector.broadcast %broadcast_in_dim3A_372 : f32 to vector<16xf32>
      %swap3A_374 = arith.constant 880 : index
      %swap3A_375 = tpu.vector_load %arg9[%swap3A_374] {strides = array<i32>} : memref<1024xf32, #tpu.memory_space<vmem>>, vector<16xf32>,
      %swap3A_376 = vector.shape_cast %swap3A_375 : vector<16xf32> to vector<16xf32>
      %swap3A_377 = vector.shape_cast %broadcast_in_dim3A_373 : vector<16xf32> to vector<16xf32>
      tpu.vector_store %arg9[%swap3A_374], %swap3A_377 {strides = array<i32>} : memref<1024xf32, #tpu.memory_space<vmem>>, vector<16xf32>,
      %broadcast_in_dim3A_378 = arith.constant 0.000000e+00 : f32
      %broadcast_in_dim3A_379 = vector.broadcast %broadcast_in_dim3A_378 : f32 to vector<16xf32>
      %swap3A_380 = arith.constant 896 : index
      %swap3A_381 = tpu.vector_load %arg9[%swap3A_380] {strides = array<i32>} : memref<1024xf32, #tpu.memory_space<vmem>>, vector<16xf32>,
      %swap3A_382 = vector.shape_cast %swap3A_381 : vector<16xf32> to vector<16xf32>
      %swap3A_383 = vector.shape_cast %broadcast_in_dim3A_379 : vector<16xf32> to vector<16xf32>
      tpu.vector_store %arg9[%swap3A_380], %swap3A_383 {strides = array<i32>} : memref<1024xf32, #tpu.memory_space<vmem>>, vector<16xf32>,
      %broadcast_in_dim3A_384 = arith.constant 0.000000e+00 : f32
      %broadcast_in_dim3A_385 = vector.broadcast %broadcast_in_dim3A_384 : f32 to vector<16xf32>
      %swap3A_386 = arith.constant 912 : index
      %swap3A_387 = tpu.vector_load %arg9[%swap3A_386] {strides = array<i32>} : memref<1024xf32, #tpu.memory_space<vmem>>, vector<16xf32>,
      %swap3A_388 = vector.shape_cast %swap3A_387 : vector<16xf32> to vector<16xf32>
      %swap3A_389 = vector.shape_cast %broadcast_in_dim3A_385 : vector<16xf32> to vector<16xf32>
      tpu.vector_store %arg9[%swap3A_386], %swap3A_389 {strides = array<i32>} : memref<1024xf32, #tpu.memory_space<vmem>>, vector<16xf32>,
      %broadcast_in_dim3A_390 = arith.constant 0.000000e+00 : f32
      %broadcast_in_dim3A_391 = vector.broadcast %broadcast_in_dim3A_390 : f32 to vector<16xf32>
      %swap3A_392 = arith.constant 928 : index
      %swap3A_393 = tpu.vector_load %arg9[%swap3A_392] {strides = array<i32>} : memref<1024xf32, #tpu.memory_space<vmem>>, vector<16xf32>,
      %swap3A_394 = vector.shape_cast %swap3A_393 : vector<16xf32> to vector<16xf32>
      %swap3A_395 = vector.shape_cast %broadcast_in_dim3A_391 : vector<16xf32> to vector<16xf32>
      tpu.vector_store %arg9[%swap3A_392], %swap3A_395 {strides = array<i32>} : memref<1024xf32, #tpu.memory_space<vmem>>, vector<16xf32>,
      %broadcast_in_dim3A_396 = arith.constant 0.000000e+00 : f32
      %broadcast_in_dim3A_397 = vector.broadcast %broadcast_in_dim3A_396 : f32 to vector<16xf32>
      %swap3A_398 = arith.constant 944 : index
      %swap3A_399 = tpu.vector_load %arg9[%swap3A_398] {strides = array<i32>} : memref<1024xf32, #tpu.memory_space<vmem>>, vector<16xf32>,
      %swap3A_400 = vector.shape_cast %swap3A_399 : vector<16xf32> to vector<16xf32>
      %swap3A_401 = vector.shape_cast %broadcast_in_dim3A_397 : vector<16xf32> to vector<16xf32>
      tpu.vector_store %arg9[%swap3A_398], %swap3A_401 {strides = array<i32>} : memref<1024xf32, #tpu.memory_space<vmem>>, vector<16xf32>,
      %broadcast_in_dim3A_402 = arith.constant 0.000000e+00 : f32
      %broadcast_in_dim3A_403 = vector.broadcast %broadcast_in_dim3A_402 : f32 to vector<16xf32>
      %swap3A_404 = arith.constant 960 : index
      %swap3A_405 = tpu.vector_load %arg9[%swap3A_404] {strides = array<i32>} : memref<1024xf32, #tpu.memory_space<vmem>>, vector<16xf32>,
      %swap3A_406 = vector.shape_cast %swap3A_405 : vector<16xf32> to vector<16xf32>
      %swap3A_407 = vector.shape_cast %broadcast_in_dim3A_403 : vector<16xf32> to vector<16xf32>
      tpu.vector_store %arg9[%swap3A_404], %swap3A_407 {strides = array<i32>} : memref<1024xf32, #tpu.memory_space<vmem>>, vector<16xf32>,
      %broadcast_in_dim3A_408 = arith.constant 0.000000e+00 : f32
      %broadcast_in_dim3A_409 = vector.broadcast %broadcast_in_dim3A_408 : f32 to vector<16xf32>
      %swap3A_410 = arith.constant 976 : index
      %swap3A_411 = tpu.vector_load %arg9[%swap3A_410] {strides = array<i32>} : memref<1024xf32, #tpu.memory_space<vmem>>, vector<16xf32>,
      %swap3A_412 = vector.shape_cast %swap3A_411 : vector<16xf32> to vector<16xf32>
      %swap3A_413 = vector.shape_cast %broadcast_in_dim3A_409 : vector<16xf32> to vector<16xf32>
      tpu.vector_store %arg9[%swap3A_410], %swap3A_413 {strides = array<i32>} : memref<1024xf32, #tpu.memory_space<vmem>>, vector<16xf32>,
      %broadcast_in_dim3A_414 = arith.constant 0.000000e+00 : f32
      %broadcast_in_dim3A_415 = vector.broadcast %broadcast_in_dim3A_414 : f32 to vector<16xf32>
      %swap3A_416 = arith.constant 992 : index
      %swap3A_417 = tpu.vector_load %arg9[%swap3A_416] {strides = array<i32>} : memref<1024xf32, #tpu.memory_space<vmem>>, vector<16xf32>,
      %swap3A_418 = vector.shape_cast %swap3A_417 : vector<16xf32> to vector<16xf32>
      %swap3A_419 = vector.shape_cast %broadcast_in_dim3A_415 : vector<16xf32> to vector<16xf32>
      tpu.vector_store %arg9[%swap3A_416], %swap3A_419 {strides = array<i32>} : memref<1024xf32, #tpu.memory_space<vmem>>, vector<16xf32>,
      %broadcast_in_dim3A_420 = arith.constant 0.000000e+00 : f32
      %broadcast_in_dim3A_421 = vector.broadcast %broadcast_in_dim3A_420 : f32 to vector<16xf32>
      %swap3A_422 = arith.constant 1008 : index
      %swap3A_423 = tpu.vector_load %arg9[%swap3A_422] {strides = array<i32>} : memref<1024xf32, #tpu.memory_space<vmem>>, vector<16xf32>,
      %swap3A_424 = vector.shape_cast %swap3A_423 : vector<16xf32> to vector<16xf32>
      %swap3A_425 = vector.shape_cast %broadcast_in_dim3A_421 : vector<16xf32> to vector<16xf32>
      tpu.vector_store %arg9[%swap3A_422], %swap3A_425 {strides = array<i32>} : memref<1024xf32, #tpu.memory_space<vmem>>, vector<16xf32>,
      "tpu.region"() ({
        %run_scoped3A = tpu.sem_alloc : memref<!tpu.dma_semaphore, #tpu.memory_space<semaphore_mem>>
        %dma_start3A = arith.constant 0 : i32
        %dma_start3A_426 = tpu.memref_slice %arg11[%dma_start3A] : memref<4096xf32, #tpu.memory_space<vmem_shared>> -> memref<1024xf32, #tpu.memory_space<vmem_shared>>
        %dma_start3A_427 = arith.constant 0 : i32
        %dma_start3A_428 = tpu.memref_slice %arg11[%dma_start3A_427] : memref<4096xf32, #tpu.memory_space<vmem_shared>> -> memref<1024xf32, #tpu.memory_space<vmem_shared>>
        tpu.enqueue_dma source(%arg9 : memref<1024xf32, #tpu.memory_space<vmem>>) target(%dma_start3A_428 : memref<1024xf32, #tpu.memory_space<vmem_shared>>) target_semaphore(%run_scoped3A : memref<!tpu.dma_semaphore, #tpu.memory_space<semaphore_mem>>)
        %dma_wait3A = arith.constant 0 : i32
        %dma_wait3A_429 = tpu.memref_slice %arg11[%dma_wait3A] : memref<4096xf32, #tpu.memory_space<vmem_shared>> -> memref<1024xf32, #tpu.memory_space<vmem_shared>>
        %dma_wait3A_430 = arith.constant 0 : i32
        %dma_wait3A_431 = tpu.memref_slice %arg11[%dma_wait3A_430] : memref<4096xf32, #tpu.memory_space<vmem_shared>> -> memref<1024xf32, #tpu.memory_space<vmem_shared>>
        tpu.wait_dma2 semaphore(%run_scoped3A : memref<!tpu.dma_semaphore, #tpu.memory_space<semaphore_mem>>) src(%arg9 : memref<1024xf32, #tpu.memory_space<vmem>>) dst(%dma_wait3A_431 : memref<1024xf32, #tpu.memory_space<vmem_shared>>)
        tpu.yield
      }) : () -> ()
      "tpu.region"() ({
        %run_scoped3A = tpu.sem_alloc : memref<!tpu.dma_semaphore, #tpu.memory_space<semaphore_mem>>
        %dma_start3A = arith.constant 1024 : i32
        %dma_start3A_426 = tpu.memref_slice %arg11[%dma_start3A] : memref<4096xf32, #tpu.memory_space<vmem_shared>> -> memref<1024xf32, #tpu.memory_space<vmem_shared>>
        %dma_start3A_427 = arith.constant 1024 : i32
        %dma_start3A_428 = tpu.memref_slice %arg11[%dma_start3A_427] : memref<4096xf32, #tpu.memory_space<vmem_shared>> -> memref<1024xf32, #tpu.memory_space<vmem_shared>>
        tpu.enqueue_dma source(%arg9 : memref<1024xf32, #tpu.memory_space<vmem>>) target(%dma_start3A_428 : memref<1024xf32, #tpu.memory_space<vmem_shared>>) target_semaphore(%run_scoped3A : memref<!tpu.dma_semaphore, #tpu.memory_space<semaphore_mem>>)
        %dma_wait3A = arith.constant 1024 : i32
        %dma_wait3A_429 = tpu.memref_slice %arg11[%dma_wait3A] : memref<4096xf32, #tpu.memory_space<vmem_shared>> -> memref<1024xf32, #tpu.memory_space<vmem_shared>>
        %dma_wait3A_430 = arith.constant 1024 : i32
        %dma_wait3A_431 = tpu.memref_slice %arg11[%dma_wait3A_430] : memref<4096xf32, #tpu.memory_space<vmem_shared>> -> memref<1024xf32, #tpu.memory_space<vmem_shared>>
        tpu.wait_dma2 semaphore(%run_scoped3A : memref<!tpu.dma_semaphore, #tpu.memory_space<semaphore_mem>>) src(%arg9 : memref<1024xf32, #tpu.memory_space<vmem>>) dst(%dma_wait3A_431 : memref<1024xf32, #tpu.memory_space<vmem_shared>>)
        tpu.yield
      }) : () -> ()
      "tpu.region"() ({
        %run_scoped3A = tpu.sem_alloc : memref<!tpu.dma_semaphore, #tpu.memory_space<semaphore_mem>>
        %dma_start3A = arith.constant 2048 : i32
        %dma_start3A_426 = tpu.memref_slice %arg11[%dma_start3A] : memref<4096xf32, #tpu.memory_space<vmem_shared>> -> memref<1024xf32, #tpu.memory_space<vmem_shared>>
        %dma_start3A_427 = arith.constant 2048 : i32
        %dma_start3A_428 = tpu.memref_slice %arg11[%dma_start3A_427] : memref<4096xf32, #tpu.memory_space<vmem_shared>> -> memref<1024xf32, #tpu.memory_space<vmem_shared>>
        tpu.enqueue_dma source(%arg9 : memref<1024xf32, #tpu.memory_space<vmem>>) target(%dma_start3A_428 : memref<1024xf32, #tpu.memory_space<vmem_shared>>) target_semaphore(%run_scoped3A : memref<!tpu.dma_semaphore, #tpu.memory_space<semaphore_mem>>)
        %dma_wait3A = arith.constant 2048 : i32
        %dma_wait3A_429 = tpu.memref_slice %arg11[%dma_wait3A] : memref<4096xf32, #tpu.memory_space<vmem_shared>> -> memref<1024xf32, #tpu.memory_space<vmem_shared>>
        %dma_wait3A_430 = arith.constant 2048 : i32
        %dma_wait3A_431 = tpu.memref_slice %arg11[%dma_wait3A_430] : memref<4096xf32, #tpu.memory_space<vmem_shared>> -> memref<1024xf32, #tpu.memory_space<vmem_shared>>
        tpu.wait_dma2 semaphore(%run_scoped3A : memref<!tpu.dma_semaphore, #tpu.memory_space<semaphore_mem>>) src(%arg9 : memref<1024xf32, #tpu.memory_space<vmem>>) dst(%dma_wait3A_431 : memref<1024xf32, #tpu.memory_space<vmem_shared>>)
        tpu.yield
      }) : () -> ()
      "tpu.region"() ({
        %run_scoped3A = tpu.sem_alloc : memref<!tpu.dma_semaphore, #tpu.memory_space<semaphore_mem>>
        %dma_start3A = arith.constant 3072 : i32
        %dma_start3A_426 = tpu.memref_slice %arg11[%dma_start3A] : memref<4096xf32, #tpu.memory_space<vmem_shared>> -> memref<1024xf32, #tpu.memory_space<vmem_shared>>
        %dma_start3A_427 = arith.constant 3072 : i32
        %dma_start3A_428 = tpu.memref_slice %arg11[%dma_start3A_427] : memref<4096xf32, #tpu.memory_space<vmem_shared>> -> memref<1024xf32, #tpu.memory_space<vmem_shared>>
        tpu.enqueue_dma source(%arg9 : memref<1024xf32, #tpu.memory_space<vmem>>) target(%dma_start3A_428 : memref<1024xf32, #tpu.memory_space<vmem_shared>>) target_semaphore(%run_scoped3A : memref<!tpu.dma_semaphore, #tpu.memory_space<semaphore_mem>>)
        %dma_wait3A = arith.constant 3072 : i32
        %dma_wait3A_429 = tpu.memref_slice %arg11[%dma_wait3A] : memref<4096xf32, #tpu.memory_space<vmem_shared>> -> memref<1024xf32, #tpu.memory_space<vmem_shared>>
        %dma_wait3A_430 = arith.constant 3072 : i32
        %dma_wait3A_431 = tpu.memref_slice %arg11[%dma_wait3A_430] : memref<4096xf32, #tpu.memory_space<vmem_shared>> -> memref<1024xf32, #tpu.memory_space<vmem_shared>>
        tpu.wait_dma2 semaphore(%run_scoped3A : memref<!tpu.dma_semaphore, #tpu.memory_space<semaphore_mem>>) src(%arg9 : memref<1024xf32, #tpu.memory_space<vmem>>) dst(%dma_wait3A_431 : memref<1024xf32, #tpu.memory_space<vmem_shared>>)
        tpu.yield
      }) : () -> ()
    } else {
    }
    %barrier3A = arith.constant 0 : index
    tpu.barrier barrier_id(%barrier3A)
    %eq3A_19 = arith.constant 0 : i32
    %eq3A_20 = arith.cmpi eq, %arg0, %eq3A_19 : i32
    %lt3A_21 = arith.constant 13 : i32
    %lt3A_22 = arith.cmpi slt, %arg1, %lt3A_21 : i32
    %and3A_23 = arith.andi %eq3A_20, %lt3A_22 : i1
    %convert_element_type3A_24 = arith.extui %and3A_23 : i1 to i32
    %cond3A_25 = arith.constant 0 : i32
    %cond3A_26 = arith.cmpi ne, %convert_element_type3A_24, %cond3A_25 : i32
    scf.if %cond3A_26 {
      %mul3A = arith.constant 7168 : i32
      %mul3A_44 = arith.muli %arg1, %mul3A : i32
      %dma_wait3A = tpu.memref_slice %arg3[%mul3A_44] : memref<100000xi32, #tpu.memory_space<hbm>> -> memref<7168xi32, #tpu.memory_space<hbm>>
      %dma_wait3A_45 = tpu.memref_slice %arg3[%mul3A_44] : memref<100000xi32, #tpu.memory_space<hbm>> -> memref<7168xi32, #tpu.memory_space<hbm>>
      tpu.wait_dma2 semaphore(%arg12 : memref<!tpu.dma_semaphore, #tpu.memory_space<semaphore_mem>>) src(%dma_wait3A_45 : memref<7168xi32, #tpu.memory_space<hbm>>) dst(%arg6 : memref<7168xi32, #tpu.memory_space<vmem>>)
      %mul3A_46 = arith.constant 7168 : i32
      %mul3A_47 = arith.muli %arg1, %mul3A_46 : i32
      %dma_wait3A_48 = tpu.memref_slice %arg2[%mul3A_47] : memref<100352xf32, #tpu.memory_space<hbm>> -> memref<7168xf32, #tpu.memory_space<hbm>>
      %dma_wait3A_49 = tpu.memref_slice %arg2[%mul3A_47] : memref<100352xf32, #tpu.memory_space<hbm>> -> memref<7168xf32, #tpu.memory_space<hbm>>
      tpu.wait_dma2 semaphore(%arg12 : memref<!tpu.dma_semaphore, #tpu.memory_space<semaphore_mem>>) src(%dma_wait3A_49 : memref<7168xf32, #tpu.memory_space<hbm>>) dst(%arg5 : memref<7168xf32, #tpu.memory_space<vmem>>)
      "tpu.region"() ({
        %run_scoped3A = tpu.sem_alloc : memref<!tpu.dma_semaphore, #tpu.memory_space<semaphore_mem>>
        %dma_start3A = arith.constant 0 : i32
        %dma_start3A_50 = tpu.memref_slice %arg11[%dma_start3A] : memref<4096xf32, #tpu.memory_space<vmem_shared>> -> memref<4096xf32, #tpu.memory_space<vmem_shared>>
        tpu.enqueue_indirect_dma source(%arg5 : memref<7168xf32, #tpu.memory_space<vmem>>) target(%dma_start3A_50 : memref<4096xf32, #tpu.memory_space<vmem_shared>>) offsets(%arg6 : memref<7168xi32, #tpu.memory_space<vmem>>) semaphore(%run_scoped3A : memref<!tpu.dma_semaphore, #tpu.memory_space<semaphore_mem>>) {add = true}
        %dma_wait3A_51 = arith.constant 0 : i32
        %dma_wait3A_52 = tpu.memref_slice %arg11[%dma_wait3A_51] : memref<4096xf32, #tpu.memory_space<vmem_shared>> -> memref<4096xf32, #tpu.memory_space<vmem_shared>>
        tpu.wait_indirect_dma semaphore(%run_scoped3A : memref<!tpu.dma_semaphore, #tpu.memory_space<semaphore_mem>>) src(%arg5 : memref<7168xf32, #tpu.memory_space<vmem>>) dst(%dma_wait3A_52 : memref<4096xf32, #tpu.memory_space<vmem_shared>>)
        tpu.yield
      }) : () -> ()
    } else {
    }
    %eq3A_27 = arith.constant 0 : i32
    %eq3A_28 = arith.cmpi eq, %arg0, %eq3A_27 : i32
    %eq3A_29 = arith.constant 13 : i32
    %eq3A_30 = arith.cmpi eq, %arg1, %eq3A_29 : i32
    %and3A_31 = arith.andi %eq3A_28, %eq3A_30 : i1
    %convert_element_type3A_32 = arith.extui %and3A_31 : i1 to i32
    %cond3A_33 = arith.constant 0 : i32
    %cond3A_34 = arith.cmpi ne, %convert_element_type3A_32, %cond3A_33 : i32
    scf.if %cond3A_34 {
      %dma_wait3A = arith.constant 93184 : i32
      %dma_wait3A_44 = tpu.memref_slice %arg3[%dma_wait3A] : memref<100000xi32, #tpu.memory_space<hbm>> -> memref<6816xi32, #tpu.memory_space<hbm>>
      %dma_wait3A_45 = arith.constant 93184 : i32
      %dma_wait3A_46 = tpu.memref_slice %arg3[%dma_wait3A_45] : memref<100000xi32, #tpu.memory_space<hbm>> -> memref<6816xi32, #tpu.memory_space<hbm>>
      tpu.wait_dma2 semaphore(%arg12 : memref<!tpu.dma_semaphore, #tpu.memory_space<semaphore_mem>>) src(%dma_wait3A_46 : memref<6816xi32, #tpu.memory_space<hbm>>) dst(%arg8 : memref<6816xi32, #tpu.memory_space<vmem>>)
      %dma_wait3A_47 = arith.constant 93184 : i32
      %dma_wait3A_48 = tpu.memref_slice %arg2[%dma_wait3A_47] : memref<100352xf32, #tpu.memory_space<hbm>> -> memref<6816xf32, #tpu.memory_space<hbm>>
      %dma_wait3A_49 = arith.constant 93184 : i32
      %dma_wait3A_50 = tpu.memref_slice %arg2[%dma_wait3A_49] : memref<100352xf32, #tpu.memory_space<hbm>> -> memref<6816xf32, #tpu.memory_space<hbm>>
      tpu.wait_dma2 semaphore(%arg12 : memref<!tpu.dma_semaphore, #tpu.memory_space<semaphore_mem>>) src(%dma_wait3A_50 : memref<6816xf32, #tpu.memory_space<hbm>>) dst(%arg7 : memref<6816xf32, #tpu.memory_space<vmem>>)
      "tpu.region"() ({
        %run_scoped3A = tpu.sem_alloc : memref<!tpu.dma_semaphore, #tpu.memory_space<semaphore_mem>>
        %dma_start3A = arith.constant 0 : i32
        %dma_start3A_51 = tpu.memref_slice %arg11[%dma_start3A] : memref<4096xf32, #tpu.memory_space<vmem_shared>> -> memref<4096xf32, #tpu.memory_space<vmem_shared>>
        tpu.enqueue_indirect_dma source(%arg7 : memref<6816xf32, #tpu.memory_space<vmem>>) target(%dma_start3A_51 : memref<4096xf32, #tpu.memory_space<vmem_shared>>) offsets(%arg8 : memref<6816xi32, #tpu.memory_space<vmem>>) semaphore(%run_scoped3A : memref<!tpu.dma_semaphore, #tpu.memory_space<semaphore_mem>>) {add = true}
        %dma_wait3A_52 = arith.constant 0 : i32
        %dma_wait3A_53 = tpu.memref_slice %arg11[%dma_wait3A_52] : memref<4096xf32, #tpu.memory_space<vmem_shared>> -> memref<4096xf32, #tpu.memory_space<vmem_shared>>
        tpu.wait_indirect_dma semaphore(%run_scoped3A : memref<!tpu.dma_semaphore, #tpu.memory_space<semaphore_mem>>) src(%arg7 : memref<6816xf32, #tpu.memory_space<vmem>>) dst(%dma_wait3A_53 : memref<4096xf32, #tpu.memory_space<vmem_shared>>)
        tpu.yield
      }) : () -> ()
    } else {
    }
    %barrier3A_35 = arith.constant 0 : index
    tpu.barrier barrier_id(%barrier3A_35)
    %eq3A_36 = arith.constant 0 : i32
    %eq3A_37 = arith.cmpi eq, %arg0, %eq3A_36 : i32
    %eq3A_38 = arith.constant 0 : i32
    %eq3A_39 = arith.cmpi eq, %arg1, %eq3A_38 : i32
    %and3A_40 = arith.andi %eq3A_37, %eq3A_39 : i1
    %convert_element_type3A_41 = arith.extui %and3A_40 : i1 to i32
    %cond3A_42 = arith.constant 0 : i32
    %cond3A_43 = arith.cmpi ne, %convert_element_type3A_41, %cond3A_42 : i32
    scf.if %cond3A_43 {
      "tpu.region"() ({
        %run_scoped3A = tpu.sem_alloc : memref<!tpu.dma_semaphore, #tpu.memory_space<semaphore_mem>>
        tpu.enqueue_dma source(%arg11 : memref<4096xf32, #tpu.memory_space<vmem_shared>>) target(%arg10 : memref<4096xf32, #tpu.memory_space<vmem>>) target_semaphore(%run_scoped3A : memref<!tpu.dma_semaphore, #tpu.memory_space<semaphore_mem>>)
        tpu.wait_dma2 semaphore(%run_scoped3A : memref<!tpu.dma_semaphore, #tpu.memory_space<semaphore_mem>>) src(%arg11 : memref<4096xf32, #tpu.memory_space<vmem_shared>>) dst(%arg10 : memref<4096xf32, #tpu.memory_space<vmem>>)
        tpu.yield
      }) : () -> ()
      %scan3A = arith.constant 0 : i32
      %scan3A_44 = arith.constant 0 : i32
      %scan3A_45 = arith.constant 64 : i32
      %scan3A_46 = arith.addi %scan3A_44, %scan3A_45 : i32
      %scan3A_47 = arith.constant 1 : i32
      scf.for %scan3A_49 = %scan3A_44 to %scan3A_46 step %scan3A_47  : i32 {
        %mul3A = arith.constant 16 : i32
        %mul3A_50 = arith.muli %scan3A_49, %mul3A : i32
        %multiple_of3A = tpu.assume_multiple %mul3A_50, 16 : i32
        %get3A = arith.index_cast %multiple_of3A : i32 to index
        %get3A_51 = tpu.vector_load %arg10[%get3A] {strides = array<i32>} : memref<4096xf32, #tpu.memory_space<vmem>>, vector<16xf32>,
        %get3A_52 = vector.shape_cast %get3A_51 : vector<16xf32> to vector<16xf32>
        %add3A = arith.constant 1024 : i32
        %add3A_53 = arith.addi %add3A, %multiple_of3A : i32
        %get3A_54 = arith.index_cast %add3A_53 : i32 to index
        %get3A_55 = tpu.vector_load %arg10[%get3A_54] {strides = array<i32>} : memref<4096xf32, #tpu.memory_space<vmem>>, vector<16xf32>,
        %get3A_56 = vector.shape_cast %get3A_55 : vector<16xf32> to vector<16xf32>
        %add3A_57 = arith.addf %get3A_52, %get3A_56 : vector<16xf32>
        %add3A_58 = arith.constant 2048 : i32
        %add3A_59 = arith.addi %add3A_58, %multiple_of3A : i32
        %get3A_60 = arith.index_cast %add3A_59 : i32 to index
        %get3A_61 = tpu.vector_load %arg10[%get3A_60] {strides = array<i32>} : memref<4096xf32, #tpu.memory_space<vmem>>, vector<16xf32>,
        %get3A_62 = vector.shape_cast %get3A_61 : vector<16xf32> to vector<16xf32>
        %add3A_63 = arith.addf %add3A_57, %get3A_62 : vector<16xf32>
        %add3A_64 = arith.constant 3072 : i32
        %add3A_65 = arith.addi %add3A_64, %multiple_of3A : i32
        %get3A_66 = arith.index_cast %add3A_65 : i32 to index
        %get3A_67 = tpu.vector_load %arg10[%get3A_66] {strides = array<i32>} : memref<4096xf32, #tpu.memory_space<vmem>>, vector<16xf32>,
        %get3A_68 = vector.shape_cast %get3A_67 : vector<16xf32> to vector<16xf32>
        %add3A_69 = arith.addf %add3A_63, %get3A_68 : vector<16xf32>
        %swap3A = arith.index_cast %multiple_of3A : i32 to index
        %swap3A_70 = tpu.vector_load %arg9[%swap3A] {strides = array<i32>} : memref<1024xf32, #tpu.memory_space<vmem>>, vector<16xf32>,
        %swap3A_71 = vector.shape_cast %swap3A_70 : vector<16xf32> to vector<16xf32>
        %swap3A_72 = vector.shape_cast %add3A_69 : vector<16xf32> to vector<16xf32>
        tpu.vector_store %arg9[%swap3A], %swap3A_72 {strides = array<i32>} : memref<1024xf32, #tpu.memory_space<vmem>>, vector<16xf32>,
      }
      %scan3A_48 = arith.constant 64 : i32
      "tpu.region"() ({
        %run_scoped3A = tpu.sem_alloc : memref<!tpu.dma_semaphore, #tpu.memory_space<semaphore_mem>>
        tpu.enqueue_dma source(%arg9 : memref<1024xf32, #tpu.memory_space<vmem>>) target(%arg4 : memref<1024xf32, #tpu.memory_space<hbm>>) target_semaphore(%run_scoped3A : memref<!tpu.dma_semaphore, #tpu.memory_space<semaphore_mem>>)
        tpu.wait_dma2 semaphore(%run_scoped3A : memref<!tpu.dma_semaphore, #tpu.memory_space<semaphore_mem>>) src(%arg9 : memref<1024xf32, #tpu.memory_space<vmem>>) dst(%arg4 : memref<1024xf32, #tpu.memory_space<hbm>>)
        tpu.yield
      }) : () -> ()
    } else {
    }
    return
  }
}

module attributes {stable_mosaic.version = 14 : i64} {
  func.func @_matvec_body(%arg0: i32, %arg1: memref<1792x128xf32, #tpu.memory_space<vmem>>, %arg2: memref<1792x128xf32, #tpu.memory_space<vmem>>, %arg3: memref<1792x128xf32, #tpu.memory_space<vmem>>, %arg4: memref<1792x128xf32, #tpu.memory_space<vmem>>, %arg5: memref<1792x128xf32, #tpu.memory_space<vmem>>, %arg6: memref<1792x128xf32, #tpu.memory_space<vmem>>, %arg7: memref<1792x128xf32, #tpu.memory_space<vmem>>, %arg8: memref<1792x128xf32, #tpu.memory_space<vmem>>, %arg9: memref<1x128xf32, #tpu.memory_space<vmem>>, %arg10: memref<1x1xf32, #tpu.memory_space<smem>>, %arg11: memref<14336xf32, #tpu.memory_space<vmem>>) attributes {dimension_semantics = [#tpu.dimension_semantics<arbitrary>], iteration_bounds = array<i64: 7>, scalar_prefetch = 0 : i64, scratch_operands = 0 : i64, tpu.core_type = #tpu.core_type<tc>, window_params = [{transform_indices = @transform_0, window_bounds = array<i64: 1792, 128>}, {transform_indices = @transform_1, window_bounds = array<i64: 1792, 128>}, {transform_indices = @transform_2, window_bounds = array<i64: 1792, 128>}, {transform_indices = @transform_3, window_bounds = array<i64: 1792, 128>}, {transform_indices = @transform_4, window_bounds = array<i64: 1792, 128>}, {transform_indices = @transform_5, window_bounds = array<i64: 1792, 128>}, {transform_indices = @transform_6, window_bounds = array<i64: 1792, 128>}, {transform_indices = @transform_7, window_bounds = array<i64: 1792, 128>}, {pipeline_mode = #tpu.pipeline_mode<synchronous>, transform_indices = @transform_8, window_bounds = array<i64: 1, 128>}, {transform_indices = @transform_9, window_bounds = array<i64: 1, 1>}, {transform_indices = @transform_10, window_bounds = array<i64: 14336>}]} {
    %get3A = arith.constant 0 : index
    %get3A_0 = arith.constant 0 : index
    %get3A_1 = memref.load %arg10[%get3A, %get3A_0] : memref<1x1xf32, #tpu.memory_space<smem>>
    %get3A_2 = arith.constant 0 : index
    %get3A_3 = arith.constant 0 : index
    %get3A_4 = vector.load %arg9[%get3A_2, %get3A_3] : memref<1x128xf32, #tpu.memory_space<vmem>>, vector<1x128xf32>
    %get3A_5 = arith.constant 0 : index
    %get3A_6 = arith.constant 0 : index
    %get3A_7 = vector.load %arg1[%get3A_5, %get3A_6] : memref<1792x128xf32, #tpu.memory_space<vmem>>, vector<1792x128xf32>
    %dot_general3A = arith.constant dense<0.000000e+00> : vector<1x1792xf32>
    %dot_general3A_8 = tpu.matmul %get3A_4, %get3A_7, %dot_general3A {dimension_numbers = #tpu.dot_dimension_numbers<[1], [1], [0], [0], [0, 0, 1, 0], [], []>, transpose_lhs_hint = false} : vector<1x128xf32>, vector<1792x128xf32>, vector<1x1792xf32> -> vector<1x1792xf32>
    %add3A = vector.broadcast %get3A_1 : f32 to vector<1x1792xf32>
    %add3A_9 = arith.addf %dot_general3A_8, %add3A : vector<1x1792xf32>
    %reshape3A = vector.shape_cast %add3A_9 : vector<1x1792xf32> to vector<1792xf32>
    %swap3A = arith.constant 0 : index
    %swap3A_10 = vector.load %arg11[%swap3A] : memref<14336xf32, #tpu.memory_space<vmem>>, vector<1792xf32>
    tpu.vector_store %arg11[%swap3A], %reshape3A {strides = array<i32>} : memref<14336xf32, #tpu.memory_space<vmem>>, vector<1792xf32>,
    %get3A_11 = arith.constant 0 : index
    %get3A_12 = arith.constant 0 : index
    %get3A_13 = vector.load %arg9[%get3A_11, %get3A_12] : memref<1x128xf32, #tpu.memory_space<vmem>>, vector<1x128xf32>
    %get3A_14 = arith.constant 0 : index
    %get3A_15 = arith.constant 0 : index
    %get3A_16 = vector.load %arg2[%get3A_14, %get3A_15] : memref<1792x128xf32, #tpu.memory_space<vmem>>, vector<1792x128xf32>
    %dot_general3A_17 = arith.constant dense<0.000000e+00> : vector<1x1792xf32>
    %dot_general3A_18 = tpu.matmul %get3A_13, %get3A_16, %dot_general3A_17 {dimension_numbers = #tpu.dot_dimension_numbers<[1], [1], [0], [0], [0, 0, 1, 0], [], []>, transpose_lhs_hint = false} : vector<1x128xf32>, vector<1792x128xf32>, vector<1x1792xf32> -> vector<1x1792xf32>
    %add3A_19 = vector.broadcast %get3A_1 : f32 to vector<1x1792xf32>
    %add3A_20 = arith.addf %dot_general3A_18, %add3A_19 : vector<1x1792xf32>
    %reshape3A_21 = vector.shape_cast %add3A_20 : vector<1x1792xf32> to vector<1792xf32>
    %swap3A_22 = arith.constant 1792 : index
    %swap3A_23 = vector.load %arg11[%swap3A_22] : memref<14336xf32, #tpu.memory_space<vmem>>, vector<1792xf32>
    tpu.vector_store %arg11[%swap3A_22], %reshape3A_21 {strides = array<i32>} : memref<14336xf32, #tpu.memory_space<vmem>>, vector<1792xf32>,
    %get3A_24 = arith.constant 0 : index
    %get3A_25 = arith.constant 0 : index
    %get3A_26 = vector.load %arg9[%get3A_24, %get3A_25] : memref<1x128xf32, #tpu.memory_space<vmem>>, vector<1x128xf32>
    %get3A_27 = arith.constant 0 : index
    %get3A_28 = arith.constant 0 : index
    %get3A_29 = vector.load %arg3[%get3A_27, %get3A_28] : memref<1792x128xf32, #tpu.memory_space<vmem>>, vector<1792x128xf32>
    %dot_general3A_30 = arith.constant dense<0.000000e+00> : vector<1x1792xf32>
    %dot_general3A_31 = tpu.matmul %get3A_26, %get3A_29, %dot_general3A_30 {dimension_numbers = #tpu.dot_dimension_numbers<[1], [1], [0], [0], [0, 0, 1, 0], [], []>, transpose_lhs_hint = false} : vector<1x128xf32>, vector<1792x128xf32>, vector<1x1792xf32> -> vector<1x1792xf32>
    %add3A_32 = vector.broadcast %get3A_1 : f32 to vector<1x1792xf32>
    %add3A_33 = arith.addf %dot_general3A_31, %add3A_32 : vector<1x1792xf32>
    %reshape3A_34 = vector.shape_cast %add3A_33 : vector<1x1792xf32> to vector<1792xf32>
    %swap3A_35 = arith.constant 3584 : index
    %swap3A_36 = vector.load %arg11[%swap3A_35] : memref<14336xf32, #tpu.memory_space<vmem>>, vector<1792xf32>
    tpu.vector_store %arg11[%swap3A_35], %reshape3A_34 {strides = array<i32>} : memref<14336xf32, #tpu.memory_space<vmem>>, vector<1792xf32>,
    %get3A_37 = arith.constant 0 : index
    %get3A_38 = arith.constant 0 : index
    %get3A_39 = vector.load %arg9[%get3A_37, %get3A_38] : memref<1x128xf32, #tpu.memory_space<vmem>>, vector<1x128xf32>
    %get3A_40 = arith.constant 0 : index
    %get3A_41 = arith.constant 0 : index
    %get3A_42 = vector.load %arg4[%get3A_40, %get3A_41] : memref<1792x128xf32, #tpu.memory_space<vmem>>, vector<1792x128xf32>
    %dot_general3A_43 = arith.constant dense<0.000000e+00> : vector<1x1792xf32>
    %dot_general3A_44 = tpu.matmul %get3A_39, %get3A_42, %dot_general3A_43 {dimension_numbers = #tpu.dot_dimension_numbers<[1], [1], [0], [0], [0, 0, 1, 0], [], []>, transpose_lhs_hint = false} : vector<1x128xf32>, vector<1792x128xf32>, vector<1x1792xf32> -> vector<1x1792xf32>
    %add3A_45 = vector.broadcast %get3A_1 : f32 to vector<1x1792xf32>
    %add3A_46 = arith.addf %dot_general3A_44, %add3A_45 : vector<1x1792xf32>
    %reshape3A_47 = vector.shape_cast %add3A_46 : vector<1x1792xf32> to vector<1792xf32>
    %swap3A_48 = arith.constant 5376 : index
    %swap3A_49 = vector.load %arg11[%swap3A_48] : memref<14336xf32, #tpu.memory_space<vmem>>, vector<1792xf32>
    tpu.vector_store %arg11[%swap3A_48], %reshape3A_47 {strides = array<i32>} : memref<14336xf32, #tpu.memory_space<vmem>>, vector<1792xf32>,
    %get3A_50 = arith.constant 0 : index
    %get3A_51 = arith.constant 0 : index
    %get3A_52 = vector.load %arg9[%get3A_50, %get3A_51] : memref<1x128xf32, #tpu.memory_space<vmem>>, vector<1x128xf32>
    %get3A_53 = arith.constant 0 : index
    %get3A_54 = arith.constant 0 : index
    %get3A_55 = vector.load %arg5[%get3A_53, %get3A_54] : memref<1792x128xf32, #tpu.memory_space<vmem>>, vector<1792x128xf32>
    %dot_general3A_56 = arith.constant dense<0.000000e+00> : vector<1x1792xf32>
    %dot_general3A_57 = tpu.matmul %get3A_52, %get3A_55, %dot_general3A_56 {dimension_numbers = #tpu.dot_dimension_numbers<[1], [1], [0], [0], [0, 0, 1, 0], [], []>, transpose_lhs_hint = false} : vector<1x128xf32>, vector<1792x128xf32>, vector<1x1792xf32> -> vector<1x1792xf32>
    %add3A_58 = vector.broadcast %get3A_1 : f32 to vector<1x1792xf32>
    %add3A_59 = arith.addf %dot_general3A_57, %add3A_58 : vector<1x1792xf32>
    %reshape3A_60 = vector.shape_cast %add3A_59 : vector<1x1792xf32> to vector<1792xf32>
    %swap3A_61 = arith.constant 7168 : index
    %swap3A_62 = vector.load %arg11[%swap3A_61] : memref<14336xf32, #tpu.memory_space<vmem>>, vector<1792xf32>
    tpu.vector_store %arg11[%swap3A_61], %reshape3A_60 {strides = array<i32>} : memref<14336xf32, #tpu.memory_space<vmem>>, vector<1792xf32>,
    %get3A_63 = arith.constant 0 : index
    %get3A_64 = arith.constant 0 : index
    %get3A_65 = vector.load %arg9[%get3A_63, %get3A_64] : memref<1x128xf32, #tpu.memory_space<vmem>>, vector<1x128xf32>
    %get3A_66 = arith.constant 0 : index
    %get3A_67 = arith.constant 0 : index
    %get3A_68 = vector.load %arg6[%get3A_66, %get3A_67] : memref<1792x128xf32, #tpu.memory_space<vmem>>, vector<1792x128xf32>
    %dot_general3A_69 = arith.constant dense<0.000000e+00> : vector<1x1792xf32>
    %dot_general3A_70 = tpu.matmul %get3A_65, %get3A_68, %dot_general3A_69 {dimension_numbers = #tpu.dot_dimension_numbers<[1], [1], [0], [0], [0, 0, 1, 0], [], []>, transpose_lhs_hint = false} : vector<1x128xf32>, vector<1792x128xf32>, vector<1x1792xf32> -> vector<1x1792xf32>
    %add3A_71 = vector.broadcast %get3A_1 : f32 to vector<1x1792xf32>
    %add3A_72 = arith.addf %dot_general3A_70, %add3A_71 : vector<1x1792xf32>
    %reshape3A_73 = vector.shape_cast %add3A_72 : vector<1x1792xf32> to vector<1792xf32>
    %swap3A_74 = arith.constant 8960 : index
    %swap3A_75 = vector.load %arg11[%swap3A_74] : memref<14336xf32, #tpu.memory_space<vmem>>, vector<1792xf32>
    tpu.vector_store %arg11[%swap3A_74], %reshape3A_73 {strides = array<i32>} : memref<14336xf32, #tpu.memory_space<vmem>>, vector<1792xf32>,
    %get3A_76 = arith.constant 0 : index
    %get3A_77 = arith.constant 0 : index
    %get3A_78 = vector.load %arg9[%get3A_76, %get3A_77] : memref<1x128xf32, #tpu.memory_space<vmem>>, vector<1x128xf32>
    %get3A_79 = arith.constant 0 : index
    %get3A_80 = arith.constant 0 : index
    %get3A_81 = vector.load %arg7[%get3A_79, %get3A_80] : memref<1792x128xf32, #tpu.memory_space<vmem>>, vector<1792x128xf32>
    %dot_general3A_82 = arith.constant dense<0.000000e+00> : vector<1x1792xf32>
    %dot_general3A_83 = tpu.matmul %get3A_78, %get3A_81, %dot_general3A_82 {dimension_numbers = #tpu.dot_dimension_numbers<[1], [1], [0], [0], [0, 0, 1, 0], [], []>, transpose_lhs_hint = false} : vector<1x128xf32>, vector<1792x128xf32>, vector<1x1792xf32> -> vector<1x1792xf32>
    %add3A_84 = vector.broadcast %get3A_1 : f32 to vector<1x1792xf32>
    %add3A_85 = arith.addf %dot_general3A_83, %add3A_84 : vector<1x1792xf32>
    %reshape3A_86 = vector.shape_cast %add3A_85 : vector<1x1792xf32> to vector<1792xf32>
    %swap3A_87 = arith.constant 10752 : index
    %swap3A_88 = vector.load %arg11[%swap3A_87] : memref<14336xf32, #tpu.memory_space<vmem>>, vector<1792xf32>
    tpu.vector_store %arg11[%swap3A_87], %reshape3A_86 {strides = array<i32>} : memref<14336xf32, #tpu.memory_space<vmem>>, vector<1792xf32>,
    %get3A_89 = arith.constant 0 : index
    %get3A_90 = arith.constant 0 : index
    %get3A_91 = vector.load %arg9[%get3A_89, %get3A_90] : memref<1x128xf32, #tpu.memory_space<vmem>>, vector<1x128xf32>
    %get3A_92 = arith.constant 0 : index
    %get3A_93 = arith.constant 0 : index
    %get3A_94 = vector.load %arg8[%get3A_92, %get3A_93] : memref<1792x128xf32, #tpu.memory_space<vmem>>, vector<1792x128xf32>
    %dot_general3A_95 = arith.constant dense<0.000000e+00> : vector<1x1792xf32>
    %dot_general3A_96 = tpu.matmul %get3A_91, %get3A_94, %dot_general3A_95 {dimension_numbers = #tpu.dot_dimension_numbers<[1], [1], [0], [0], [0, 0, 1, 0], [], []>, transpose_lhs_hint = false} : vector<1x128xf32>, vector<1792x128xf32>, vector<1x1792xf32> -> vector<1x1792xf32>
    %add3A_97 = vector.broadcast %get3A_1 : f32 to vector<1x1792xf32>
    %add3A_98 = arith.addf %dot_general3A_96, %add3A_97 : vector<1x1792xf32>
    %reshape3A_99 = vector.shape_cast %add3A_98 : vector<1x1792xf32> to vector<1792xf32>
    %swap3A_100 = arith.constant 12544 : index
    %swap3A_101 = vector.load %arg11[%swap3A_100] : memref<14336xf32, #tpu.memory_space<vmem>>, vector<1792xf32>
    tpu.vector_store %arg11[%swap3A_100], %reshape3A_99 {strides = array<i32>} : memref<14336xf32, #tpu.memory_space<vmem>>, vector<1792xf32>,
    return
  }
  func.func @transform_0(%arg0: i32) -> (i32, i32) {
    %mul3A = arith.constant 8 : i32
    %mul3A_0 = arith.muli %mul3A, %arg0 : i32
    %add3A = arith.constant 0 : i32
    %add3A_1 = arith.addi %mul3A_0, %add3A : i32
    %c0_i32 = arith.constant 0 : i32
    %c0_i32_2 = arith.constant 0 : i32
    return %add3A_1, %c0_i32 : i32, i32
  }
  func.func @transform_1(%arg0: i32) -> (i32, i32) {
    %mul3A = arith.constant 8 : i32
    %mul3A_0 = arith.muli %mul3A, %arg0 : i32
    %add3A = arith.constant 1 : i32
    %add3A_1 = arith.addi %mul3A_0, %add3A : i32
    %c0_i32 = arith.constant 0 : i32
    %c0_i32_2 = arith.constant 0 : i32
    return %add3A_1, %c0_i32 : i32, i32
  }
  func.func @transform_2(%arg0: i32) -> (i32, i32) {
    %mul3A = arith.constant 8 : i32
    %mul3A_0 = arith.muli %mul3A, %arg0 : i32
    %add3A = arith.constant 2 : i32
    %add3A_1 = arith.addi %mul3A_0, %add3A : i32
    %c0_i32 = arith.constant 0 : i32
    %c0_i32_2 = arith.constant 0 : i32
    return %add3A_1, %c0_i32 : i32, i32
  }
  func.func @transform_3(%arg0: i32) -> (i32, i32) {
    %mul3A = arith.constant 8 : i32
    %mul3A_0 = arith.muli %mul3A, %arg0 : i32
    %add3A = arith.constant 3 : i32
    %add3A_1 = arith.addi %mul3A_0, %add3A : i32
    %c0_i32 = arith.constant 0 : i32
    %c0_i32_2 = arith.constant 0 : i32
    return %add3A_1, %c0_i32 : i32, i32
  }
  func.func @transform_4(%arg0: i32) -> (i32, i32) {
    %mul3A = arith.constant 8 : i32
    %mul3A_0 = arith.muli %mul3A, %arg0 : i32
    %add3A = arith.constant 4 : i32
    %add3A_1 = arith.addi %mul3A_0, %add3A : i32
    %c0_i32 = arith.constant 0 : i32
    %c0_i32_2 = arith.constant 0 : i32
    return %add3A_1, %c0_i32 : i32, i32
  }
  func.func @transform_5(%arg0: i32) -> (i32, i32) {
    %mul3A = arith.constant 8 : i32
    %mul3A_0 = arith.muli %mul3A, %arg0 : i32
    %add3A = arith.constant 5 : i32
    %add3A_1 = arith.addi %mul3A_0, %add3A : i32
    %c0_i32 = arith.constant 0 : i32
    %c0_i32_2 = arith.constant 0 : i32
    return %add3A_1, %c0_i32 : i32, i32
  }
  func.func @transform_6(%arg0: i32) -> (i32, i32) {
    %mul3A = arith.constant 8 : i32
    %mul3A_0 = arith.muli %mul3A, %arg0 : i32
    %add3A = arith.constant 6 : i32
    %add3A_1 = arith.addi %mul3A_0, %add3A : i32
    %c0_i32 = arith.constant 0 : i32
    %c0_i32_2 = arith.constant 0 : i32
    return %add3A_1, %c0_i32 : i32, i32
  }
  func.func @transform_7(%arg0: i32) -> (i32, i32) {
    %mul3A = arith.constant 8 : i32
    %mul3A_0 = arith.muli %mul3A, %arg0 : i32
    %add3A = arith.constant 7 : i32
    %add3A_1 = arith.addi %mul3A_0, %add3A : i32
    %c0_i32 = arith.constant 0 : i32
    %c0_i32_2 = arith.constant 0 : i32
    return %add3A_1, %c0_i32 : i32, i32
  }
  func.func @transform_8(%arg0: i32) -> (i32, i32) {
    %c0_i32 = arith.constant 0 : i32
    %c0_i32_0 = arith.constant 0 : i32
    %c0_i32_1 = arith.constant 0 : i32
    return %c0_i32, %c0_i32_0 : i32, i32
  }
  func.func @transform_9(%arg0: i32) -> (i32, i32) {
    %c0_i32 = arith.constant 0 : i32
    %c0_i32_0 = arith.constant 0 : i32
    %c0_i32_1 = arith.constant 0 : i32
    return %c0_i32, %c0_i32_0 : i32, i32
  }
  func.func @transform_10(%arg0: i32) -> i32 {
    %c0_i32 = arith.constant 0 : i32
    return %arg0 : i32
  }
}

</mosaic_0001>

<sc_bundles>
// kernel: kernel.4.cloned.1.call-start
scs
__scs_entry_jumppad:
0x0: {  	(pc) =	sbr.rel $0x88, $3  }
0x1: {  	(tag) =	ssettag $0x0;
	lr =	simm.s32 $0x1  }
0x2: {  	[smem:$0x3F9D] =	sst lr;
	_ =	strace $0xD0000000  }
0x3: {  	_ = 	snop  }
0x4: {  	_ = 	snop  }
0x5: {  	_ = 	snop  }
0x6: {  	_ = 	snop  }
0x7: {  	_ = 	snop  }
__scs_overlays_trampoline_lowered:
0x8: {  	[smem:$0x3FAC] =	sst s0  }
0x9: {  	[smem:$0x3FAD] =	sst s1  }
0xa: {  	[smem:$0x3FAE] =	sst s2  }
0xb: {  	[smem:$0x3FAF] =	sst s3  }
0xc: {  	[smem:$0x3FB0] =	sst s4  }
0xd: {  	[smem:$0x3FB1] =	sst s5  }
0xe: {  	[smem:$0x3FB2] =	sst s6  }
0xf: {  	[smem:$0x3FB3] =	sst s7  }
0x10: {  	[smem:$0x3FB4] =	sst s8  }
0x11: {  	[smem:$0x3FB5] =	sst s9;
	s0 =	simm.s32 @!p0 $0x0  }
0x12: {  	s1 =	sld [smem:$0x3F9B];
	s0 =	simm.s32 @p0 $0x1  }
0x13: {  	[smem:$0x3FB6] =	sst s0;
	s0 =	simm.s32 @!p1 $0x0  }
0x14: {  	s2 =	sld [smem:$0x3F9A];
	s0 =	simm.s32 @p1 $0x1  }
0x15: {  	[smem:$0x3FB7] =	sst s0;
	s0 =	simm.s32 @!p2 $0x0  }
0x16: {  	s3 =	sld [smem:$0x3FDB];
	s0 =	simm.s32 @p2 $0x1  }
0x17: {  	s4 =	simm.s32 $0x1BF5;
	[smem:$0x3FB9] =	sst s0  }
0x18: {  	s0 =	sld [smem:$0x3F9C];
	_ =	swait.ge [sflag:s4], $0x0  }
0x19: {  	s7 =	sld [smem:$0x3F9D]  }
0x1a: {  	s8 =	sadd.s32 $0xFFFFE003, lr  }
0x1b: {  	s9 =	sadd.s32 $0xFFFFFEF7, lr;
	s5 =	simm.s32 $0xFFFFFFFF;
	p2 =	slt.u32 s8, $0xFFFFF086  }
0x1c: {  	p1 =	slt.u32 s9, $0xF7A;
	s5 =	simm.s32 @!p2 $0x0  }
0x1d: {  	s5 =	simm.s32 @p1 $0x1;
	p0 =	seq.s32 s7, s2  }
0x1e: {  	s7 =	smul.u32 @!p0 $0xF7A, s2;
	p2 =	seq.s32 @!p0 s5, $0x0  }
0x1f: {  	s9 =	smul.u32 $0xF7A, s1;
	s8 =	simm.s32 @!p0 $0x1BF5;
	p2 =	por !p2, p0  }
0x20: {  	[sflag:s8] =	ssyncset.s32 @!p0 $0xFFFFF086;
	s6 =	sadd.s32 @!p0 s3, s7;
	s7 =	simm.s32 @!p0 $0x108  }
0x21: {  	s3 =	sadd.s32 s3, s9;
	s6 =	sadd.s32 @!p0 $0x88, s6;
	s7 =	simm.s32 @p2 $0x1082  }
0x22: {  	[simem:s7], [sflag:s8] =	dma.local @!p0 [hbm:s6], $0xF7A  }
0x23: {  	s9 =	sor.u32 $0xD0000000, s2;
	s6 =	simm.s32 $0x108;
	_ =	swait.ge @!p0 [sflag:s8], $0x0  }
0x24: {  	s3 =	sadd.s32 $0x88, s3;
	s6 =	simm.s32 @!p1 $0x1082;
	[sflag:s4] =	ssyncset.s32 $0xFFFFF086  }
0x25: {  	[simem:s6], [sflag:s4] =	dma.local [hbm:s3], $0xF7A  }
0x26: {  	[smem:$0x3F9D] =	sst s1;
	(tag) =	ssettag s2;
	_ =	strace s9  }
0x27: {  	s1 =	sld [smem:$0x3FAD]  }
0x28: {  	s2 =	sld [smem:$0x3FAE]  }
0x29: {  	s4 =	sld [smem:$0x3FB0]  }
0x2a: {  	p0 =	seq.s32 s5, $0x0;
	s5 =	sld [smem:$0x3FB1]  }
0x2b: {  	s6 =	sld [smem:$0x3FB2]  }
0x2c: {  	s7 =	sld [smem:$0x3FB3]  }
0x2d: {  	s3 =	simm.s32 $0x108;
	s8 =	sld [smem:$0x3FB4]  }
0x2e: {  	s3 =	simm.s32 @!p0 $0x1082;
	s9 =	sld [smem:$0x3FB5]  }
0x2f: {  	lr =	sadd.s32 s0, s3;
	s0 =	sld [smem:$0x3FAC]  }
0x30: {  	s3 =	sld [smem:$0x3FAF]  }
0x31: {  	[smem:$0x3FB8] =	sst s10  }
0x32: {  	s10 =	sld [smem:$0x3FB6];
	_ =	sdelay $0x3  }
0x33: {  	p0 =	seq.s32 s10, $0x1;
	s10 =	sld [smem:$0x3FB8];
	_ =	sdelay $0x3  }
0x34: {  	[smem:$0x3FB8] =	sst s10  }
0x35: {  	s10 =	sld [smem:$0x3FB7];
	_ =	sdelay $0x3  }
0x36: {  	p1 =	seq.s32 s10, $0x1;
	s10 =	sld [smem:$0x3FB8];
	_ =	sdelay $0x3  }
0x37: {  	[smem:$0x3FB8] =	sst s10  }
0x38: {  	s10 =	sld [smem:$0x3FB9]  }
0x39: {  	_ = 	snop;
	(pc) =	sbr.ind lr, $3  }
0x3a: {  	_ = 	snop  }
0x3b: {  	_ = 	snop  }
0x3c: {  	p2 =	seq.s32 s10, $0x1;
	s10 =	sld [smem:$0x3FB8]  }
0x3d: {  	_ =	shalt  }
0x3e: {  	_ =	shalt  }
0x3f: {  	_ =	shalt  }
0x40: {  	_ =	shalt  }
0x41: {  	_ =	shalt  }
0x42: {  	_ =	shalt  }
0x43: {  	_ =	shalt  }
0x44: {  	_ =	shalt  }
0x45: {  	_ =	shalt  }
0x46: {  	_ =	shalt  }
0x47: {  	_ =	shalt  }
0x48: {  	_ =	shalt  }
0x49: {  	_ =	shalt  }
0x4a: {  	_ =	shalt  }
0x4b: {  	_ =	shalt  }
0x4c: {  	_ =	shalt  }
0x4d: {  	_ =	shalt  }
0x4e: {  	_ =	shalt  }
0x4f: {  	_ =	shalt  }
0x50: {  	_ =	shalt  }
0x51: {  	_ =	shalt  }
0x52: {  	_ =	shalt  }
0x53: {  	_ =	shalt  }
0x54: {  	_ =	shalt  }
0x55: {  	_ =	shalt  }
0x56: {  	_ =	shalt  }
0x57: {  	_ =	shalt  }
0x58: {  	_ =	shalt  }
0x59: {  	_ =	shalt  }
0x5a: {  	_ =	shalt  }
0x5b: {  	_ =	shalt  }
0x5c: {  	_ =	shalt  }
0x5d: {  	_ =	shalt  }
0x5e: {  	_ =	shalt  }
0x5f: {  	_ =	shalt  }
0x60: {  	_ =	shalt  }
0x61: {  	_ =	shalt  }
0x62: {  	_ =	shalt  }
0x63: {  	_ =	shalt  }
0x64: {  	_ =	shalt  }
0x65: {  	_ =	shalt  }
0x66: {  	_ =	shalt  }
0x67: {  	_ =	shalt  }
0x68: {  	_ =	shalt  }
0x69: {  	_ =	shalt  }
0x6a: {  	_ =	shalt  }
0x6b: {  	_ =	shalt  }
0x6c: {  	_ =	shalt  }
0x6d: {  	_ =	shalt  }
0x6e: {  	_ =	shalt  }
0x6f: {  	_ =	shalt  }
0x70: {  	_ =	shalt  }
0x71: {  	_ =	shalt  }
0x72: {  	_ =	shalt  }
0x73: {  	_ =	shalt  }
0x74: {  	_ =	shalt  }
0x75: {  	_ =	shalt  }
0x76: {  	_ =	shalt  }
0x77: {  	_ =	shalt  }
0x78: {  	_ =	shalt  }
0x79: {  	_ =	shalt  }
0x7a: {  	_ =	shalt  }
0x7b: {  	_ =	shalt  }
0x7c: {  	_ =	shalt  }
0x7d: {  	_ =	shalt  }
0x7e: {  	_ =	shalt  }
0x7f: {  	_ =	shalt  }
0x80: {  	_ =	shalt  }
0x81: {  	_ =	shalt  }
0x82: {  	_ =	shalt  }
0x83: {  	_ =	shalt  }
0x84: {  	_ =	shalt  }
0x85: {  	_ =	shalt  }
0x86: {  	_ =	shalt  }
0x87: {  	_ =	shalt  }
.Lfunc_end0:
.L_simem_size_0:
called_computation_lowered:
.L_overlay_start_0:
0x88: {  	s2 =	sld [smem:$0x3FD9]  }
0x89: {  	s3 =	sld [smem:$0x3FFE];
	_ =	sdelay $0x1  }
0x8a: {  	s1 =	srdreg.scid  }
0x8b: {  	s0 =	sand.u32 $0x1, s1  }
0x8c: {  	s17 =	sshll.u32 s0, $0xA;
	s2 =	sadd.s32 s3, s2  }
0x8d: {  	s2 =	sadd.s32 s2, s17  }
0x8e: {  	[smem:$0x3FC4] =	sst s2  }
0x8f: {  	_ = 	snop  }
0x90: {  	s2 =	sld [smem:$0x3FD0];
	(tm) =	ssettm $0x1  }
0x91: {  	s18 =	sld [smem:$0x3FFB];
	_ =	sdelay $0x3  }
0x92: {  	_ =	strace s18  }
0x93: {  	s3 =	sld [smem:$0x3FFC];
	_ =	sdelay $0x3  }
0x94: {  	_ =	strace s3  }
0x95: {  	s3 =	sld [smem:$0x3FFD];
	_ =	sdelay $0x3  }
0x96: {  	_ =	strace s3  }
0x97: {  	_ =	strace $0x8FFFFFFF  }
0x98: {  	s19 =	sld [smem:$0x3FDB];
	_ =	sdelay $0x1  }
0x99: {  	s4 =	simm.s32 $_scs_section_size  }
0x9a: {  	s5 =	simm.s32 $_size__tile_overlayer_lowered;
	s6 =	simm.s32 $_tile_overlayer_lowered  }
0x9b: {  	s22 =	simm.s32 $0x1BFF;
	s21 =	sshll.u32 s6, $0x1;
	s3 =	sadd.s32 s4, s19  }
0x9c: {  	s7 =	simm.s32 $0x0;
	s20 =	sshll.u32 s5, $0x1;
	s5 =	sadd.s32 s21, s3  }
0x9d: {  	[timem:s7], [sflag:s22] =	dma.local [hbm:s5], s20  }
0x9e: {  	_ =	swait.ge [sflag:s22], s20  }
0x9f: {  	s4 =	ssub.s32 $0x0, s20;
	[sflag:s22] =	ssyncset.done $0x0  }
0xa0: {  	[sflag:s22] =	ssyncadd.s32 s4;
	_ =	sdelay $0x1  }
0xa1: {  	s23 =	simm.s32 $0x1B8B  }
0xa2: {  	_ =	swait.ge [sflag:s23], $0x1  }
0xa3: {  	[sflag:s23] =	ssyncset.done $0x0  }
0xa4: {  	s25 =	simm.s32 $0x1B8E;
	s24 =	sld [smem:$0x3FFE];
	[sflag:s23] =	ssyncadd.s32 $0xFFFFFFFF  }
0xa5: {  	s26 =	simm.s32 $execute0_lowered;
	[smem:$0x3FD2] =	sst s25  }
0xa6: {  	s5 =	sshll.u32 s26, $0x1;
	_ =	strace $0x80000046;
	[dreg:$0x1] =	wrdreg $0xFFFFFFFF  }
0xa7: {  	s28 =	simm.s32 $_size_execute0_lowered;
	s3 =	sadd.s32 s3, s5;
	[dreg:$0x0] =	wrdreg $0x0  }
0xa8: {  	s5 =	sshll.u32 s28, $0x1;
	[dreg:$0x2] =	wrdreg s3  }
0xa9: {  	[dreg:$0x3] =	wrdreg s5  }
0xaa: {  	[dreg:$0x4] =	wrdreg $0xC0  }
0xab: {  	_ =	task [dreg:s7], $0x5FFFF  }
0xac: {  	[dreg:$0x1] =	wrdreg $0xFFFFFFFF  }
0xad: {  	[dreg:$0x0] =	wrdreg $0x60  }
0xae: {  	[dreg:$0x2] =	wrdreg s24  }
0xaf: {  	[dreg:$0x3] =	wrdreg s2  }
0xb0: {  	[dreg:$0x4] =	wrdreg $0x82000  }
0xb1: {  	[dreg:$0x5] =	wrdreg $0x9  }
0xb2: {  	_ =	task.clear_ibuf [dreg:s7], $0x6FFFF;
	_ =	strace $0x90000046  }
0xb3: {  	s29 =	simm.s32 $0x9;
	_ =	strace $0x80000048  }
0xb4: {  	_ =	swait.ge [sflag:s29], $0x1  }
0xb5: {  	[sflag:s29] =	ssyncadd.s32 $0xFFFFFFFF  }
0xb6: {  	_ =	strace $0x90000048  }
0xb7: {  	_ =	sfence  }
0xb8: {  	s30 =	sld [smem:$0x0];
	_ =	sdelay $0x2  }
0xb9: {  	s31 =	sshll.u32 s1, $0xD;
	s1 =	sshrl.u32 s1, $0x2  }
0xba: {  	s3 =	sand.u32 $0x4000, s31;
	s1 =	sadd.s32 s1, s30  }
0xbb: {  	s0 =	sor.u32 s3, s0;
	s1 =	sshll.u32 s1, $0x11  }
0xbc: {  	s0 =	sor.u32 s1, s0  }
0xbd: {  	s0 =	sadd.s32 $0x8F2B, s0  }
0xbe: {  	[sflag:s0] =	ssyncadd.remote.s32 $0x1  }
0xbf: {  	_ =	sfence.sel $0xFFFF  }
0xc0: {  	[dreg:$0x0] =	wrdreg $0xFFFFFFFF;
	(pc) =	sbr.abs _section_cstart, $3  }
0xc1: {  	[dreg:$0x1] =	wrdreg $0xFFFFFFFF  }
0xc2: {  	_ =	task.clear_ibuf [dreg:s7], $0x2FFFF;
	_ =	strace $0x9FFFFFFF  }
0xc3: {  	(tm) =	ssettm $0x7FFFFFFF  }
tec
execute0_lowered:
.L_overlay_start_1:
0x0: {  	(tag) =	ssettag $0x1  }
0x1: {  	s6 =	rddreg [dreg:$0x0]  }
0x2: {  	s2 =	rddreg [dreg:$0x1]  }
0x3: {  	s3 =	rddreg [dreg:$0x2];
	s1 =	stileid.u32  }
0x4: {  	s0 =	rddreg [dreg:$0x3];
	s4 =	simm.s32 $0x0;
	s7 =	srdreg.scid  }
0x5: {  	s14 =	simm.s32 $0x2;
	s15 =	simm.s32 $0x0;
	s5 =	smul.u32 $0x380, s1  }
0x6: {  	[smem:$0x7FF] =	sst s4;
	s9 =	sand.u32 $0x1, s7;
	p0 =	slt.u32 s1, $0xD  }
0x7: {  	p2 =	seq.s32 s1, $0xD;
	s10 =	sadd.s32 $0x800, s3;
	s11 =	sadd.s32 $0xC00, s3  }
0x8: {  	_ =	strace $0x80000047;
	s30 =	ssub.s32 $0x2, s9;
	p1 =	seq.s32 s9, $0x0  }
0x9: {  	s13 =	sor.u32 s1, s9;
	s9 =	sadd.s32 $0x400, s3;
	s8 =	sadd.s32 s5, s6  }
.Ltmp0:
0xa: {  	s31 =	sshrl.u32 s30, $0x1;
	p0 =	por !p1, !p0;
	(pc) =	sbr.rel .LBB2_1-.Ltmp0, $4  }
0xb: {  	p1 =	por !p1, !p2;
	s5 =	sadd.s32 $0x3580, s6;
	s6 =	sadd.s32 $0x6780, s6  }
0xc: {  	p2 =	sne.s32 s13, $0x0;
	s13 =	simm.s32 $0x6E00;
	s12 =	ssub.s32 s30, s31  }
0xd: {  	p0 =	por !p0, !p0;
	p1 =	por !p1, !p1;
	s7 =	sadd.s32 $0x800, s8  }
0xe: {  	v0 =	vimm.f32 $0.0e+00;
	s8 =	sadd.s32 $0x3A00, s8;
	s12 =	smax.u32 s12, $0x1;
	p1 =	por !p1, p0  }
.LBB2_7:
0xf: {  	s15 =	sadd.s32 $0x1, s15  }
0x10: {  	p3 =	sne.s32 s15, s12  }
.Ltmp1:
0x11: {  	_ = 	snop;
	(pc) =	sbr.rel @!p3 .LBB2_8-.Ltmp1, $1  }
0x12: {  	_ =	sdelay $0x3  }
.LBB2_1:
0x13: {  	s16 =	simm.s32 @!p1 $0x0;
	s17 =	simm.s32 @!p1 $0x5300  }
0x14: {  	[tilespmem:s17], [sflag:$0x1] =	stream.linear.gather @!p1 [hbm4b:s5+s16], $0x1AA0, $0x38;
	[tilespmem:$0x8300] =	vst v63  }
0x15: {  	s17 =	simm.s32 @!p1 $0x3800  }
0x16: {  	[tilespmem:s17], [sflag:$0x1] =	stream.linear.gather @!p1 [hbm4b:s6+s16], $0x1AA0, $0x38;
	[tilespmem:$0x8300] =	vst v63  }
.Ltmp2:
0x17: {  	_ = 	snop;
	(pc) =	sbr.rel @p2 .LBB2_3-.Ltmp2, $4  }
0x18: {  	s16 =	simm.s32 @p0 $0x0;
	s17 =	simm.s32 @p0 $0x1C00  }
0x19: {  	[tilespmem:s17], [sflag:$0x1] =	stream.linear.gather @p0 [hbm4b:s7+s16], $0x1C00, $0x38;
	[tilespmem:$0x8300] =	vst v63  }
0x1a: {  	_ = 	snop  }
0x1b: {  	[tilespmem:s16], [sflag:$0x1] =	stream.linear.gather @p0 [hbm4b:s8+s16], $0x1C00, $0x38;
	[tilespmem:$0x8300] =	vst v63  }
0x1c: {  	[tilespmem:$0x6E00] =	vst v0  }
0x1d: {  	[tilespmem:$0x6E10] =	vst v0  }
0x1e: {  	[tilespmem:$0x6E20] =	vst v0  }
0x1f: {  	[tilespmem:$0x6E30] =	vst v0  }
0x20: {  	[tilespmem:$0x6E40] =	vst v0  }
0x21: {  	[tilespmem:$0x6E50] =	vst v0  }
0x22: {  	[tilespmem:$0x6E60] =	vst v0  }
0x23: {  	[tilespmem:$0x6E70] =	vst v0  }
0x24: {  	[tilespmem:$0x6E80] =	vst v0  }
0x25: {  	[tilespmem:$0x6E90] =	vst v0  }
0x26: {  	[tilespmem:$0x6EA0] =	vst v0  }
0x27: {  	[tilespmem:$0x6EB0] =	vst v0  }
0x28: {  	[tilespmem:$0x6EC0] =	vst v0  }
0x29: {  	[tilespmem:$0x6ED0] =	vst v0  }
0x2a: {  	[tilespmem:$0x6EE0] =	vst v0  }
0x2b: {  	[tilespmem:$0x6EF0] =	vst v0  }
0x2c: {  	[tilespmem:$0x6F00] =	vst v0  }
0x2d: {  	[tilespmem:$0x6F10] =	vst v0  }
0x2e: {  	[tilespmem:$0x6F20] =	vst v0  }
0x2f: {  	[tilespmem:$0x6F30] =	vst v0  }
0x30: {  	[tilespmem:$0x6F40] =	vst v0  }
0x31: {  	[tilespmem:$0x6F50] =	vst v0  }
0x32: {  	[tilespmem:$0x6F60] =	vst v0  }
0x33: {  	[tilespmem:$0x6F70] =	vst v0  }
0x34: {  	[tilespmem:$0x6F80] =	vst v0  }
0x35: {  	[tilespmem:$0x6F90] =	vst v0  }
0x36: {  	[tilespmem:$0x6FA0] =	vst v0  }
0x37: {  	[tilespmem:$0x6FB0] =	vst v0  }
0x38: {  	[tilespmem:$0x6FC0] =	vst v0  }
0x39: {  	[tilespmem:$0x6FD0] =	vst v0  }
0x3a: {  	[tilespmem:$0x6FE0] =	vst v0  }
0x3b: {  	[tilespmem:$0x6FF0] =	vst v0  }
0x3c: {  	[tilespmem:$0x7000] =	vst v0  }
0x3d: {  	[tilespmem:$0x7010] =	vst v0  }
0x3e: {  	[tilespmem:$0x7020] =	vst v0  }
0x3f: {  	[tilespmem:$0x7030] =	vst v0  }
0x40: {  	[tilespmem:$0x7040] =	vst v0  }
0x41: {  	[tilespmem:$0x7050] =	vst v0  }
0x42: {  	[tilespmem:$0x7060] =	vst v0  }
0x43: {  	[tilespmem:$0x7070] =	vst v0  }
0x44: {  	[tilespmem:$0x7080] =	vst v0  }
0x45: {  	[tilespmem:$0x7090] =	vst v0  }
0x46: {  	[tilespmem:$0x70A0] =	vst v0  }
0x47: {  	[tilespmem:$0x70B0] =	vst v0  }
0x48: {  	[tilespmem:$0x70C0] =	vst v0  }
0x49: {  	[tilespmem:$0x70D0] =	vst v0  }
0x4a: {  	[tilespmem:$0x70E0] =	vst v0  }
0x4b: {  	[tilespmem:$0x70F0] =	vst v0  }
0x4c: {  	[tilespmem:$0x7100] =	vst v0  }
0x4d: {  	[tilespmem:$0x7110] =	vst v0  }
0x4e: {  	[tilespmem:$0x7120] =	vst v0  }
0x4f: {  	[tilespmem:$0x7130] =	vst v0  }
0x50: {  	[tilespmem:$0x7140] =	vst v0  }
0x51: {  	[tilespmem:$0x7150] =	vst v0  }
0x52: {  	[tilespmem:$0x7160] =	vst v0  }
0x53: {  	[tilespmem:$0x7170] =	vst v0  }
0x54: {  	[tilespmem:$0x7180] =	vst v0  }
0x55: {  	[tilespmem:$0x7190] =	vst v0  }
0x56: {  	[tilespmem:$0x71A0] =	vst v0  }
0x57: {  	[tilespmem:$0x71B0] =	vst v0  }
0x58: {  	[tilespmem:$0x71C0] =	vst v0  }
0x59: {  	[tilespmem:$0x71D0] =	vst v0  }
0x5a: {  	[tilespmem:$0x71E0] =	vst v0  }
0x5b: {  	[tilespmem:$0x71F0] =	vst v0  }
0x5c: {  	[spmem:s3] =	stream.linear.scatter [tilespmem:s13], [sflag:$0x2], $0x400, $0x38;
	[tilespmem:$0x8300] =	vst v63  }
0x5d: {  	_ =	swait.ge [sflag:s14], $0x400  }
0x5e: {  	[sflag:s14] =	ssyncset.done $0x0  }
0x5f: {  	[sflag:s14] =	ssyncadd.s32 $0xFFFFFC00  }
0x60: {  	[spmem:s9] =	stream.linear.scatter [tilespmem:s13], [sflag:$0x2], $0x400, $0x38;
	[tilespmem:$0x8300] =	vst v63  }
0x61: {  	_ =	swait.ge [sflag:s14], $0x400  }
0x62: {  	[sflag:s14] =	ssyncset.done $0x0  }
0x63: {  	[sflag:s14] =	ssyncadd.s32 $0xFFFFFC00  }
0x64: {  	[spmem:s10] =	stream.linear.scatter [tilespmem:s13], [sflag:$0x2], $0x400, $0x38;
	[tilespmem:$0x8300] =	vst v63  }
0x65: {  	_ =	swait.ge [sflag:s14], $0x400  }
0x66: {  	[sflag:s14] =	ssyncset.done $0x0  }
0x67: {  	[sflag:s14] =	ssyncadd.s32 $0xFFFFFC00  }
0x68: {  	[spmem:s11] =	stream.linear.scatter [tilespmem:s13], [sflag:$0x2], $0x400, $0x38;
	[tilespmem:$0x8300] =	vst v63  }
0x69: {  	_ =	swait.ge [sflag:s14], $0x400  }
0x6a: {  	[sflag:s14] =	ssyncset.done $0x0  }
0x6b: {  	[sflag:s14] =	ssyncadd.s32 $0xFFFFFC00  }
.LBB2_3:
0x6c: {  	[bflag:$0x0] =	sbarrier.arrive $0xFFFF;
	s18 =	simm.s32 @p0 $0x1  }
0x6d: {  	_ =	swait.ge @p0 [sflag:s18], $0x1C00  }
0x6e: {  	[sflag:s18] =	ssyncset.done @p0 $0x0  }
0x6f: {  	[sflag:s18] =	ssyncadd.s32 @p0 $0xFFFFE400  }
0x70: {  	_ =	swait.ge @p0 [sflag:s18], $0x1C00  }
0x71: {  	[sflag:s18] =	ssyncset.done @p0 $0x0  }
0x72: {  	[sflag:s18] =	ssyncadd.s32 @p0 $0xFFFFE400  }
0x73: {  	[spmem:s3] =	stream.indirect.scatter.add.f32 @p0 [tilespmem:s16], [sflag:$0x2], $0x1, s17, s17, $0xb8;
	[tilespmem:$0x8300] =	vst v63  }
0x74: {  	p4 =	por @!p0 $0x0, $0x0;
	p3 =	por @!p1 $0x1, $0x1;
	s16 =	simm.s32 @p0 $0x2  }
0x75: {  	p4 =	por @!p1 p3, p3;
	p3 =	por @p0 $0x0, $0x0;
	_ =	swait.ge @p0 [sflag:s16], $0x1C00  }
0x76: {  	p3 =	por @!p0 p4, p4;
	[sflag:s16] =	ssyncset.done @p0 $0x0  }
0x77: {  	[sflag:s16] =	ssyncadd.s32 @p0 $0xFFFFE400;
	s16 =	simm.s32 @p3 $0x1  }
0x78: {  	_ =	swait.ge @p3 [sflag:s16], $0x1AA0  }
0x79: {  	[sflag:s16] =	ssyncset.done @p3 $0x0  }
0x7a: {  	[sflag:s16] =	ssyncadd.s32 @p3 $0xFFFFE560  }
0x7b: {  	_ =	swait.ge @p3 [sflag:s16], $0x1AA0  }
0x7c: {  	s18 =	simm.s32 @p3 $0x3800;
	[sflag:s16] =	ssyncset.done @p3 $0x0  }
0x7d: {  	s17 =	simm.s32 @p3 $0x5300;
	[sflag:s16] =	ssyncadd.s32 @p3 $0xFFFFE560;
	s16 =	simm.s32 @p3 $0x1AA0  }
0x7e: {  	[spmem:s3] =	stream.indirect.scatter.add.f32 @p3 [tilespmem:s18], [sflag:$0x2], $0x1, s17, s16, $0xb8;
	[tilespmem:$0x8300] =	vst v63  }
0x7f: {  	s16 =	simm.s32 @p3 $0x2  }
.Ltmp3:
0x80: {  	_ =	swait.ge @p3 [sflag:s16], $0x1AA0;
	(pc) =	sbr.rel @p2 .LBB2_7-.Ltmp3, $3  }
0x81: {  	[sflag:s16] =	ssyncset.done @p3 $0x0  }
0x82: {  	[sflag:s16] =	ssyncadd.s32 @p3 $0xFFFFE560  }
0x83: {  	[bflag:$0x0] =	sbarrier.arrive $0xFFFF;
	_ =	sdelay $0x1  }
0x84: {  	s16 =	simm.s32 $0x7200  }
0x85: {  	[tilespmem:s16], [sflag:$0x2] =	stream.linear.gather [spmem:s3], $0x1000, $0x38;
	[tilespmem:$0x8300] =	vst v63  }
0x86: {  	_ =	swait.ge [sflag:s14], $0x1000  }
0x87: {  	s17 =	simm.s32 $0x0;
	[sflag:s14] =	ssyncset.done $0x0  }
0x88: {  	s17 =	sand.u32 $0x3F0, s17;
	[sflag:s14] =	ssyncadd.s32 $0xFFFFF000  }
0x89: {  	v1 =	vld [tilespmem:s17+$0x7600]  }
0x8a: {  	v2 =	vld [tilespmem:s16+$0x0];
	_ =	sdelay $0x1  }
0x8b: {  	v3 =	vld [tilespmem:s17+$0x7A00];
	_ =	sdelay $0x1  }
0x8c: {  	v4 =	vld [tilespmem:s17+$0x7E00]  }
0x8d: {  	v1 =	vadd.f32 v1, v2;
	_ =	sdelay $0x1  }
0x8e: {  	v1 =	vadd.f32 v3, v1;
	_ =	sdelay $0x1  }
0x8f: {  	v1 =	vadd.f32 v4, v1  }
0x90: {  	s31 =	simm.s32 $0x10;
	s16 =	simm.s32 $0x6E00  }
0x91: {  	s19 =	sand.u32 $0x3F0, s31;
	[tilespmem:s16+$0x0] =	vst v1  }
0x92: {  	s18 =	simm.s32 $0x20;
	s17 =	simm.s32 $0x7210;
	v1 =	vld [tilespmem:s19+$0x7600]  }
.LBB2_5:
0x93: {  	p3 =	sne.s32 s18, $0x3F0;
	v2 =	vld [tilespmem:s17+$0x0];
	_ =	sdelay $0x1  }
0x94: {  	v3 =	vld [tilespmem:s19+$0x7A00];
	_ =	sdelay $0x1  }
0x95: {  	v4 =	vld [tilespmem:s19+$0x7E00]  }
0x96: {  	v1 =	vadd.f32 v1, v2;
	_ =	sdelay $0x1  }
0x97: {  	v1 =	vadd.f32 v3, v1  }
.Ltmp4:
0x98: {  	(pc) =	sbr.rel @p3 .LBB2_5-.Ltmp4, $4  }
0x99: {  	v1 =	vadd.f32 v4, v1  }
0x9a: {  	s16 =	sadd.s32 $0x10, s16  }
0x9b: {  	s19 =	sand.u32 $0x3F0, s18;
	[tilespmem:s16+$0x0] =	vst v1  }
0x9c: {  	s17 =	sadd.s32 $0x10, s17;
	s18 =	sadd.s32 $0x10, s18;
	v1 =	vld [tilespmem:s19+$0x7600]  }
0x9d: {  	v2 =	vld [tilespmem:s17+$0x0];
	_ =	sdelay $0x1  }
0x9e: {  	v3 =	vld [tilespmem:s19+$0x7A00];
	_ =	sdelay $0x1  }
0x9f: {  	v4 =	vld [tilespmem:s19+$0x7E00]  }
0xa0: {  	v1 =	vadd.f32 v1, v2;
	_ =	sdelay $0x1  }
0xa1: {  	v1 =	vadd.f32 v3, v1;
	_ =	sdelay $0x1  }
0xa2: {  	v1 =	vadd.f32 v4, v1  }
0xa3: {  	s16 =	sadd.s32 $0x10, s16  }
.Ltmp5:
0xa4: {  	[tilespmem:s16+$0x0] =	vst v1;
	(pc) =	sbr.rel .LBB2_7-.Ltmp5, $4  }
0xa5: {  	[hbm4b:s2+s4] =	stream.linear.scatter [tilespmem:s13], [sflag:$0x2], $0x400, $0x38;
	[tilespmem:$0x8300] =	vst v63  }
0xa6: {  	_ =	swait.ge [sflag:s14], $0x400  }
0xa7: {  	[sflag:s14] =	ssyncset.done $0x0  }
0xa8: {  	[sflag:s14] =	ssyncadd.s32 $0xFFFFFC00  }
.LBB2_8:
0xa9: {  	_ =	sfence.sel $0x180000  }
0xaa: {  	[bflag:$0x0] =	sbarrier.arrive $0xFFFF  }
0xab: {  	p0 =	sne.s32 s1, $0x0;
	_ =	strace $0x90000047  }
0xac: {  	s0 =	sadd.s32 @!p0 $0x100000, s0;
	[bflag:$0x2] =	sbarrier.arrive $0xFFFF  }
0xad: {  	[sflag:s0] =	ssyncadd.tile.s32 @!p0 $0x1;
	_ =	shalt  }
.Lfunc_end2:
_tile_overlayer_lowered:
.L_overlay_start_2:
0xae: {  	(tag) =	ssettag $0x2  }
0xaf: {  	s0 =	rddreg [dreg:$0x0];
	s2 =	stileid.u32  }
0xb0: {  	s1 =	rddreg [dreg:$0x1];
	p0 =	sne.s32 s2, $0x0  }
0xb1: {  	s3 =	rddreg [dreg:$0x2];
	[bflag:$0x3] =	sbarrier.arrive $0xFFFF;
	s2 =	simm.s32 @!p0 $0x1C02  }
0xb2: {  	[timem:s3], [sflag:s2] =	dma.local @!p0 [hbm:s0], s1  }
0xb3: {  	s0 =	simm.s32 @!p0 $0x2  }
0xb4: {  	_ =	swait.ge @!p0 [sflag:s0], s1  }
0xb5: {  	s1 =	ssub.s32 @!p0 $0x0, s1;
	[sflag:s0] =	ssyncset.done @!p0 $0x0  }
0xb6: {  	[sflag:s0] =	ssyncadd.s32 @!p0 s1  }
0xb7: {  	[bflag:$0x3] =	sbarrier.arrive $0xFFFF  }
0xb8: {  	_ =	shalt  }

</sc_bundles>
